<compile_context>
chip_gen: v7x
topology: tpu7x:2x2x1
jax: 0.10.2.dev20260603
libtpu: 0.0.44.dev20260713+nightly
codegen_flags: <defaults>
</compile_context>

<pallas_src>
import functools

import jax
import jax.numpy as jnp
from jax import lax
from jax.experimental import pallas as pl
from jax.experimental.pallas import tpu as pltpu
from jax.experimental.pallas import tpu_sc as plsc

_NC = 2
_NS = 16
_NW = _NC * _NS

_DIM = 64
_NBUF = 2
_GRP = 128
_NGRP = 4
_CHUNK = _GRP * _NGRP


def _emb_gather(n_i, n_chunks, idx_hbm, tbl_hbm, out_hbm, idx_v, rows_v,
                gsem0, gsem1, osem0, osem1, isem0, isem1):
  wid = lax.axis_index("s") * _NC + lax.axis_index("c")
  base = wid * (n_chunks * _CHUNK)
  gsems = (gsem0, gsem1)
  osems = (osem0, osem1)
  isems = (isem0, isem1)

  def drain_gathers(b):
    pltpu.make_async_copy(
        tbl_hbm.at[pl.ds(0, _CHUNK)],
        rows_v.at[b],
        gsems[b],
    ).wait()

  def write_back(g, b):
    row0 = base + g * _CHUNK
    j = row0 // n_i
    i0 = row0 - j * n_i
    pltpu.async_copy(
        rows_v.at[b],
        out_hbm.at[j, pl.ds(i0, _CHUNK), pl.ds(0, _DIM)],
        osems[b],
    )

  def chunk_step(g, b):
    @pl.when(g >= _NBUF)
    def _():
      pltpu.make_async_copy(
          rows_v.at[b],
          out_hbm.at[0, pl.ds(0, _CHUNK), pl.ds(0, _DIM)],
          osems[b],
      ).wait()

    @pl.when(g >= 1)
    def _():
      pltpu.make_async_copy(
          idx_hbm.at[pl.ds(0, _CHUNK)],
          idx_v.at[b],
          isems[b],
      ).wait()

    @pl.when(g == 0)
    def _():
      pltpu.sync_copy(idx_hbm.at[pl.ds(base, _CHUNK)], idx_v.at[b])

    for k in range(_NGRP):
      pltpu.async_copy(
          tbl_hbm.at[idx_v.at[b, pl.ds(k * _GRP, _GRP)]],
          rows_v.at[b, pl.ds(k * _GRP, _GRP)],
          gsems[b],
      )
    @pl.when(g >= 1)
    def _():
      drain_gathers(1 - b)
      write_back(g - 1, 1 - b)
    @pl.when(g + 1 < n_chunks)
    def _():
      pltpu.async_copy(
          idx_hbm.at[pl.ds(base + (g + 1) * _CHUNK, _CHUNK)],
          idx_v.at[1 - b],
          isems[1 - b],
      )

  def body(i, carry):
    for b in range(_NBUF):
      chunk_step(i * _NBUF + b, b)
    return carry

  lax.fori_loop(0, n_chunks // _NBUF, body, 0)

  last_b = (n_chunks - 1) % _NBUF
  drain_gathers(last_b)
  write_back(n_chunks - 1, last_b)
  for b in range(_NBUF):
    pltpu.make_async_copy(
        rows_v.at[b],
        out_hbm.at[0, pl.ds(0, _CHUNK), pl.ds(0, _DIM)],
        osems[b],
    ).wait()


def kernel(tensor, table_fix, table_v):
  n_i, n_j = tensor.shape
  v, dim = table_fix.shape
  assert dim == _DIM
  n_rows = n_i * n_j
  per_w = n_rows // _NW
  n_chunks = per_w // _CHUNK
  assert per_w % _CHUNK == 0 and n_chunks % _NBUF == 0

  tbl = table_fix.at[v - 3:].add(table_v)

  idx = jnp.asarray(tensor, jnp.int32).T.reshape(-1)

  mesh = plsc.VectorSubcoreMesh(core_axis_name="c", subcore_axis_name="s")
  run = pl.kernel(
      functools.partial(_emb_gather, n_i, n_chunks),
      out_type=jax.ShapeDtypeStruct((n_j, n_i, 2 * _DIM), jnp.float32),
      mesh=mesh,
      scratch_types=[
          pltpu.VMEM((_NBUF, _CHUNK), jnp.int32),
          pltpu.VMEM((_NBUF, _CHUNK, _DIM), jnp.float32),
          pltpu.SemaphoreType.DMA,
          pltpu.SemaphoreType.DMA,
          pltpu.SemaphoreType.DMA,
          pltpu.SemaphoreType.DMA,
          pltpu.SemaphoreType.DMA,
          pltpu.SemaphoreType.DMA,
      ],
      compiler_params=pltpu.CompilerParams(use_tc_tiling_on_sc=False),
  )
  return run(idx, tbl)[:, :, :_DIM]

# --- scband reference (transcript-rebuilt; emitter-appended) ---
"""Pipeline reference for scband-embedding-16166256902608 (READ-ONLY COPY).

The authoritative reference and input builder live on the scoring server;
editing this copy changes nothing except your own understanding.
"""

import jax, jax.numpy as jnp
import numpy as np

VOCAB = 100000
DIM = 64

def setup_inputs(seed: int = 0) -> dict:
    key = jax.random.key(seed)
    k1, k2, k3 = jax.random.split(key, 3)
    tensor = jax.random.randint(k1, (4096, 200), 0, VOCAB, dtype=jnp.int64)
    table_fix = jax.random.normal(k2, (VOCAB, DIM), dtype=jnp.float32)
    table_v = jax.random.normal(k3, (3, DIM), dtype=jnp.float32)
    # padding_idx=0 rows are zero in torch nn.Embedding
    table_fix = table_fix.at[0].set(0.0)
    table_v = table_v.at[0].set(0.0)
    return {"tensor": tensor, "table_fix": table_fix, "table_v": table_v}

def reference(tensor, table_fix, table_v):
    embedding_1 = jnp.take(table_fix, tensor, axis=0)
    t2 = tensor - (VOCAB - 3)
    t2 = jnp.maximum(t2, 0)
    embedding_2 = jnp.take(table_v, t2, axis=0)
    embedding = embedding_1 + embedding_2
    embedding = jnp.swapaxes(embedding, 0, 1)
    return embedding

if __name__ == "__main__":
    import jax
    _d = setup_inputs()
    print(jax.jit(kernel)(*tuple(_d.values())))

</pallas_src>

<mosaic_0001>
#map = affine_map<(d0, d1) -> (0)>
#map1 = affine_map<(d0, d1) -> (0, 0)>
#map2 = affine_map<(d0, d1) -> (0, 0, 0)>
module attributes {stable_mosaic.version = 14 : i64} {
  func.func @_emb_gather(%arg0: i32, %arg1: i32, %arg2: memref<819200xi32, #tpu.memory_space<hbm>>, %arg3: memref<100000x64xf32, #tpu.memory_space<hbm>>, %arg4: memref<200x4096x128xf32, #tpu.memory_space<hbm>>, %arg5: memref<2x512xi32, #tpu.memory_space<vmem>>, %arg6: memref<2x512x64xf32, #tpu.memory_space<vmem>>, %arg7: memref<!tpu.dma_semaphore, #tpu.memory_space<semaphore_mem>>, %arg8: memref<!tpu.dma_semaphore, #tpu.memory_space<semaphore_mem>>, %arg9: memref<!tpu.dma_semaphore, #tpu.memory_space<semaphore_mem>>, %arg10: memref<!tpu.dma_semaphore, #tpu.memory_space<semaphore_mem>>, %arg11: memref<!tpu.dma_semaphore, #tpu.memory_space<semaphore_mem>>, %arg12: memref<!tpu.dma_semaphore, #tpu.memory_space<semaphore_mem>>) attributes {dimension_semantics = [#tpu.dimension_semantics<core_parallel>, #tpu.dimension_semantics<subcore_parallel>], iteration_bounds = array<i64: 2, 16>, scalar_prefetch = 0 : i64, scratch_operands = 8 : i64, tpu.core_type = #tpu.core_type<sc_vector_subcore>, window_params = [{transform_indices = #map}, {transform_indices = #map1}, {transform_indices = #map2}]} {
    %mul3A = arith.constant 2 : i32
    %mul3A_0 = arith.muli %arg1, %mul3A : i32
    %add3A = arith.addi %mul3A_0, %arg0 : i32
    %mul3A_1 = arith.constant 25600 : i32
    %mul3A_2 = arith.muli %add3A, %mul3A_1 : i32
    %scan3A = arith.constant 0 : i32
    %scan3A_3 = arith.constant 0 : i32
    %scan3A_4 = arith.constant 25 : i32
    %scan3A_5 = arith.addi %scan3A_3, %scan3A_4 : i32
    %scan3A_6 = arith.constant 1 : i32
    scf.for %scan3A_93 = %scan3A_3 to %scan3A_5 step %scan3A_6  : i32 {
      %mul3A_94 = arith.constant 2 : i32
      %mul3A_95 = arith.muli %scan3A_93, %mul3A_94 : i32
      %add3A_96 = arith.constant 0 : i32
      %add3A_97 = arith.addi %mul3A_95, %add3A_96 : i32
      %ge3A = arith.constant 2 : i32
      %ge3A_98 = arith.cmpi sge, %add3A_97, %ge3A : i32
      %convert_element_type3A = arith.extui %ge3A_98 : i1 to i32
      %cond3A = arith.constant 0 : i32
      %cond3A_99 = arith.cmpi ne, %convert_element_type3A, %cond3A : i32
      scf.if %cond3A_99 {
        %dma_wait3A_247 = arith.constant 0 : i32
        %dma_wait3A_248 = arith.constant 0 : i32
        %dma_wait3A_249 = arith.constant 0 : i32
        %dma_wait3A_250 = arith.constant 0 : i32
        %dma_wait3A_251 = tpu.memref_slice %arg6[%dma_wait3A_247, %dma_wait3A_249, %dma_wait3A_250] : memref<2x512x64xf32, #tpu.memory_space<vmem>> -> memref<1x512x64xf32, #tpu.memory_space<vmem>>
        %dma_wait3A_252 = tpu.memref_squeeze %dma_wait3A_251 : memref<1x512x64xf32, #tpu.memory_space<vmem>> -> memref<512x64xf32, #tpu.memory_space<vmem>>
        %dma_wait3A_253 = arith.constant 0 : i32
        %dma_wait3A_254 = arith.constant 0 : i32
        %dma_wait3A_255 = tpu.memref_slice %arg4[%dma_wait3A_248, %dma_wait3A_253, %dma_wait3A_254] : memref<200x4096x128xf32, #tpu.memory_space<hbm>> -> memref<1x512x64xf32, #tpu.memory_space<hbm>>
        %dma_wait3A_256 = tpu.memref_squeeze %dma_wait3A_255 : memref<1x512x64xf32, #tpu.memory_space<hbm>> -> memref<512x64xf32, #tpu.memory_space<hbm>>
        %dma_wait3A_257 = arith.constant 0 : i32
        %dma_wait3A_258 = arith.constant 0 : i32
        %dma_wait3A_259 = tpu.memref_slice %arg4[%dma_wait3A_248, %dma_wait3A_257, %dma_wait3A_258] : memref<200x4096x128xf32, #tpu.memory_space<hbm>> -> memref<1x512x64xf32, #tpu.memory_space<hbm>>
        %dma_wait3A_260 = tpu.memref_squeeze %dma_wait3A_259 : memref<1x512x64xf32, #tpu.memory_space<hbm>> -> memref<512x64xf32, #tpu.memory_space<hbm>>
        %dma_wait3A_261 = arith.constant 0 : i32
        %dma_wait3A_262 = arith.constant 0 : i32
        %dma_wait3A_263 = tpu.memref_slice %arg6[%dma_wait3A_247, %dma_wait3A_261, %dma_wait3A_262] : memref<2x512x64xf32, #tpu.memory_space<vmem>> -> memref<1x512x64xf32, #tpu.memory_space<vmem>>
        %dma_wait3A_264 = tpu.memref_squeeze %dma_wait3A_263 : memref<1x512x64xf32, #tpu.memory_space<vmem>> -> memref<512x64xf32, #tpu.memory_space<vmem>>
        tpu.wait_dma2 semaphore(%arg9 : memref<!tpu.dma_semaphore, #tpu.memory_space<semaphore_mem>>) src(%dma_wait3A_264 : memref<512x64xf32, #tpu.memory_space<vmem>>) dst(%dma_wait3A_260 : memref<512x64xf32, #tpu.memory_space<hbm>>)
      } else {
      }
      %ge3A_100 = arith.constant 1 : i32
      %ge3A_101 = arith.cmpi sge, %add3A_97, %ge3A_100 : i32
      %convert_element_type3A_102 = arith.extui %ge3A_101 : i1 to i32
      %cond3A_103 = arith.constant 0 : i32
      %cond3A_104 = arith.cmpi ne, %convert_element_type3A_102, %cond3A_103 : i32
      scf.if %cond3A_104 {
        %dma_wait3A_247 = arith.constant 0 : i32
        %dma_wait3A_248 = arith.constant 0 : i32
        %dma_wait3A_249 = tpu.memref_slice %arg5[%dma_wait3A_247, %dma_wait3A_248] : memref<2x512xi32, #tpu.memory_space<vmem>> -> memref<1x512xi32, #tpu.memory_space<vmem>>
        %dma_wait3A_250 = tpu.memref_squeeze %dma_wait3A_249 : memref<1x512xi32, #tpu.memory_space<vmem>> -> memref<512xi32, #tpu.memory_space<vmem>>
        %dma_wait3A_251 = arith.constant 0 : i32
        %dma_wait3A_252 = tpu.memref_slice %arg2[%dma_wait3A_251] : memref<819200xi32, #tpu.memory_space<hbm>> -> memref<512xi32, #tpu.memory_space<hbm>>
        %dma_wait3A_253 = arith.constant 0 : i32
        %dma_wait3A_254 = tpu.memref_slice %arg5[%dma_wait3A_247, %dma_wait3A_253] : memref<2x512xi32, #tpu.memory_space<vmem>> -> memref<1x512xi32, #tpu.memory_space<vmem>>
        %dma_wait3A_255 = tpu.memref_squeeze %dma_wait3A_254 : memref<1x512xi32, #tpu.memory_space<vmem>> -> memref<512xi32, #tpu.memory_space<vmem>>
        %dma_wait3A_256 = arith.constant 0 : i32
        %dma_wait3A_257 = tpu.memref_slice %arg2[%dma_wait3A_256] : memref<819200xi32, #tpu.memory_space<hbm>> -> memref<512xi32, #tpu.memory_space<hbm>>
        tpu.wait_dma2 semaphore(%arg11 : memref<!tpu.dma_semaphore, #tpu.memory_space<semaphore_mem>>) src(%dma_wait3A_257 : memref<512xi32, #tpu.memory_space<hbm>>) dst(%dma_wait3A_255 : memref<512xi32, #tpu.memory_space<vmem>>)
      } else {
      }
      %eq3A = arith.constant 0 : i32
      %eq3A_105 = arith.cmpi eq, %add3A_97, %eq3A : i32
      %convert_element_type3A_106 = arith.extui %eq3A_105 : i1 to i32
      %cond3A_107 = arith.constant 0 : i32
      %cond3A_108 = arith.cmpi ne, %convert_element_type3A_106, %cond3A_107 : i32
      scf.if %cond3A_108 {
        %run_scoped3A = arith.constant 0 : i32
        "tpu.region"() ({
          %run_scoped3A_247 = tpu.sem_alloc : memref<!tpu.dma_semaphore, #tpu.memory_space<semaphore_mem>>
          %dma_start3A_248 = arith.constant 0 : i32
          %dma_start3A_249 = tpu.memref_slice %arg5[%run_scoped3A, %dma_start3A_248] : memref<2x512xi32, #tpu.memory_space<vmem>> -> memref<1x512xi32, #tpu.memory_space<vmem>>
          %dma_start3A_250 = tpu.memref_squeeze %dma_start3A_249 : memref<1x512xi32, #tpu.memory_space<vmem>> -> memref<512xi32, #tpu.memory_space<vmem>>
          %dma_start3A_251 = tpu.memref_slice %arg2[%mul3A_2] : memref<819200xi32, #tpu.memory_space<hbm>> -> memref<512xi32, #tpu.memory_space<hbm>>
          %dma_start3A_252 = arith.constant 0 : i32
          %dma_start3A_253 = tpu.memref_slice %arg5[%run_scoped3A, %dma_start3A_252] : memref<2x512xi32, #tpu.memory_space<vmem>> -> memref<1x512xi32, #tpu.memory_space<vmem>>
          %dma_start3A_254 = tpu.memref_squeeze %dma_start3A_253 : memref<1x512xi32, #tpu.memory_space<vmem>> -> memref<512xi32, #tpu.memory_space<vmem>>
          %dma_start3A_255 = tpu.memref_slice %arg2[%mul3A_2] : memref<819200xi32, #tpu.memory_space<hbm>> -> memref<512xi32, #tpu.memory_space<hbm>>
          tpu.enqueue_dma source(%dma_start3A_255 : memref<512xi32, #tpu.memory_space<hbm>>) target(%dma_start3A_254 : memref<512xi32, #tpu.memory_space<vmem>>) target_semaphore(%run_scoped3A_247 : memref<!tpu.dma_semaphore, #tpu.memory_space<semaphore_mem>>)
          %dma_wait3A_256 = arith.constant 0 : i32
          %dma_wait3A_257 = tpu.memref_slice %arg5[%run_scoped3A, %dma_wait3A_256] : memref<2x512xi32, #tpu.memory_space<vmem>> -> memref<1x512xi32, #tpu.memory_space<vmem>>
          %dma_wait3A_258 = tpu.memref_squeeze %dma_wait3A_257 : memref<1x512xi32, #tpu.memory_space<vmem>> -> memref<512xi32, #tpu.memory_space<vmem>>
          %dma_wait3A_259 = tpu.memref_slice %arg2[%mul3A_2] : memref<819200xi32, #tpu.memory_space<hbm>> -> memref<512xi32, #tpu.memory_space<hbm>>
          %dma_wait3A_260 = arith.constant 0 : i32
          %dma_wait3A_261 = tpu.memref_slice %arg5[%run_scoped3A, %dma_wait3A_260] : memref<2x512xi32, #tpu.memory_space<vmem>> -> memref<1x512xi32, #tpu.memory_space<vmem>>
          %dma_wait3A_262 = tpu.memref_squeeze %dma_wait3A_261 : memref<1x512xi32, #tpu.memory_space<vmem>> -> memref<512xi32, #tpu.memory_space<vmem>>
          %dma_wait3A_263 = tpu.memref_slice %arg2[%mul3A_2] : memref<819200xi32, #tpu.memory_space<hbm>> -> memref<512xi32, #tpu.memory_space<hbm>>
          tpu.wait_dma2 semaphore(%run_scoped3A_247 : memref<!tpu.dma_semaphore, #tpu.memory_space<semaphore_mem>>) src(%dma_wait3A_263 : memref<512xi32, #tpu.memory_space<hbm>>) dst(%dma_wait3A_262 : memref<512xi32, #tpu.memory_space<vmem>>)
          tpu.yield
        }) : () -> ()
      } else {
      }
      %dma_start3A_109 = arith.constant 0 : i32
      %dma_start3A_110 = arith.constant 0 : i32
      %dma_start3A_111 = arith.constant 0 : i32
      %dma_start3A_112 = arith.constant 0 : i32
      %dma_start3A_113 = tpu.memref_slice %arg6[%dma_start3A_110, %dma_start3A_111, %dma_start3A_112] : memref<2x512x64xf32, #tpu.memory_space<vmem>> -> memref<1x128x64xf32, #tpu.memory_space<vmem>>
      %dma_start3A_114 = tpu.memref_squeeze %dma_start3A_113 : memref<1x128x64xf32, #tpu.memory_space<vmem>> -> memref<128x64xf32, #tpu.memory_space<vmem>>
      %dma_start3A_115 = arith.constant 0 : i32
      %dma_start3A_116 = tpu.memref_slice %arg5[%dma_start3A_109, %dma_start3A_115] : memref<2x512xi32, #tpu.memory_space<vmem>> -> memref<1x128xi32, #tpu.memory_space<vmem>>
      %dma_start3A_117 = tpu.memref_squeeze %dma_start3A_116 : memref<1x128xi32, #tpu.memory_space<vmem>> -> memref<128xi32, #tpu.memory_space<vmem>>
      %dma_start3A_118 = arith.constant 0 : i32
      %dma_start3A_119 = arith.constant 0 : i32
      %dma_start3A_120 = tpu.memref_slice %arg3[%dma_start3A_118, %dma_start3A_119] : memref<100000x64xf32, #tpu.memory_space<hbm>> -> memref<100000x64xf32, #tpu.memory_space<hbm>>
      tpu.enqueue_indirect_dma source(%dma_start3A_120 : memref<100000x64xf32, #tpu.memory_space<hbm>>) target(%dma_start3A_114 : memref<128x64xf32, #tpu.memory_space<vmem>>) offsets(%dma_start3A_117 : memref<128xi32, #tpu.memory_space<vmem>>) semaphore(%arg7 : memref<!tpu.dma_semaphore, #tpu.memory_space<semaphore_mem>>)
      %dma_start3A_121 = arith.constant 0 : i32
      %dma_start3A_122 = arith.constant 0 : i32
      %dma_start3A_123 = arith.constant 128 : i32
      %dma_start3A_124 = arith.constant 0 : i32
      %dma_start3A_125 = tpu.memref_slice %arg6[%dma_start3A_122, %dma_start3A_123, %dma_start3A_124] : memref<2x512x64xf32, #tpu.memory_space<vmem>> -> memref<1x128x64xf32, #tpu.memory_space<vmem>>
      %dma_start3A_126 = tpu.memref_squeeze %dma_start3A_125 : memref<1x128x64xf32, #tpu.memory_space<vmem>> -> memref<128x64xf32, #tpu.memory_space<vmem>>
      %dma_start3A_127 = arith.constant 128 : i32
      %dma_start3A_128 = tpu.memref_slice %arg5[%dma_start3A_121, %dma_start3A_127] : memref<2x512xi32, #tpu.memory_space<vmem>> -> memref<1x128xi32, #tpu.memory_space<vmem>>
      %dma_start3A_129 = tpu.memref_squeeze %dma_start3A_128 : memref<1x128xi32, #tpu.memory_space<vmem>> -> memref<128xi32, #tpu.memory_space<vmem>>
      %dma_start3A_130 = arith.constant 0 : i32
      %dma_start3A_131 = arith.constant 0 : i32
      %dma_start3A_132 = tpu.memref_slice %arg3[%dma_start3A_130, %dma_start3A_131] : memref<100000x64xf32, #tpu.memory_space<hbm>> -> memref<100000x64xf32, #tpu.memory_space<hbm>>
      tpu.enqueue_indirect_dma source(%dma_start3A_132 : memref<100000x64xf32, #tpu.memory_space<hbm>>) target(%dma_start3A_126 : memref<128x64xf32, #tpu.memory_space<vmem>>) offsets(%dma_start3A_129 : memref<128xi32, #tpu.memory_space<vmem>>) semaphore(%arg7 : memref<!tpu.dma_semaphore, #tpu.memory_space<semaphore_mem>>)
      %dma_start3A_133 = arith.constant 0 : i32
      %dma_start3A_134 = arith.constant 0 : i32
      %dma_start3A_135 = arith.constant 256 : i32
      %dma_start3A_136 = arith.constant 0 : i32
      %dma_start3A_137 = tpu.memref_slice %arg6[%dma_start3A_134, %dma_start3A_135, %dma_start3A_136] : memref<2x512x64xf32, #tpu.memory_space<vmem>> -> memref<1x128x64xf32, #tpu.memory_space<vmem>>
      %dma_start3A_138 = tpu.memref_squeeze %dma_start3A_137 : memref<1x128x64xf32, #tpu.memory_space<vmem>> -> memref<128x64xf32, #tpu.memory_space<vmem>>
      %dma_start3A_139 = arith.constant 256 : i32
      %dma_start3A_140 = tpu.memref_slice %arg5[%dma_start3A_133, %dma_start3A_139] : memref<2x512xi32, #tpu.memory_space<vmem>> -> memref<1x128xi32, #tpu.memory_space<vmem>>
      %dma_start3A_141 = tpu.memref_squeeze %dma_start3A_140 : memref<1x128xi32, #tpu.memory_space<vmem>> -> memref<128xi32, #tpu.memory_space<vmem>>
      %dma_start3A_142 = arith.constant 0 : i32
      %dma_start3A_143 = arith.constant 0 : i32
      %dma_start3A_144 = tpu.memref_slice %arg3[%dma_start3A_142, %dma_start3A_143] : memref<100000x64xf32, #tpu.memory_space<hbm>> -> memref<100000x64xf32, #tpu.memory_space<hbm>>
      tpu.enqueue_indirect_dma source(%dma_start3A_144 : memref<100000x64xf32, #tpu.memory_space<hbm>>) target(%dma_start3A_138 : memref<128x64xf32, #tpu.memory_space<vmem>>) offsets(%dma_start3A_141 : memref<128xi32, #tpu.memory_space<vmem>>) semaphore(%arg7 : memref<!tpu.dma_semaphore, #tpu.memory_space<semaphore_mem>>)
      %dma_start3A_145 = arith.constant 0 : i32
      %dma_start3A_146 = arith.constant 0 : i32
      %dma_start3A_147 = arith.constant 384 : i32
      %dma_start3A_148 = arith.constant 0 : i32
      %dma_start3A_149 = tpu.memref_slice %arg6[%dma_start3A_146, %dma_start3A_147, %dma_start3A_148] : memref<2x512x64xf32, #tpu.memory_space<vmem>> -> memref<1x128x64xf32, #tpu.memory_space<vmem>>
      %dma_start3A_150 = tpu.memref_squeeze %dma_start3A_149 : memref<1x128x64xf32, #tpu.memory_space<vmem>> -> memref<128x64xf32, #tpu.memory_space<vmem>>
      %dma_start3A_151 = arith.constant 384 : i32
      %dma_start3A_152 = tpu.memref_slice %arg5[%dma_start3A_145, %dma_start3A_151] : memref<2x512xi32, #tpu.memory_space<vmem>> -> memref<1x128xi32, #tpu.memory_space<vmem>>
      %dma_start3A_153 = tpu.memref_squeeze %dma_start3A_152 : memref<1x128xi32, #tpu.memory_space<vmem>> -> memref<128xi32, #tpu.memory_space<vmem>>
      %dma_start3A_154 = arith.constant 0 : i32
      %dma_start3A_155 = arith.constant 0 : i32
      %dma_start3A_156 = tpu.memref_slice %arg3[%dma_start3A_154, %dma_start3A_155] : memref<100000x64xf32, #tpu.memory_space<hbm>> -> memref<100000x64xf32, #tpu.memory_space<hbm>>
      tpu.enqueue_indirect_dma source(%dma_start3A_156 : memref<100000x64xf32, #tpu.memory_space<hbm>>) target(%dma_start3A_150 : memref<128x64xf32, #tpu.memory_space<vmem>>) offsets(%dma_start3A_153 : memref<128xi32, #tpu.memory_space<vmem>>) semaphore(%arg7 : memref<!tpu.dma_semaphore, #tpu.memory_space<semaphore_mem>>)
      %ge3A_157 = arith.constant 1 : i32
      %ge3A_158 = arith.cmpi sge, %add3A_97, %ge3A_157 : i32
      %convert_element_type3A_159 = arith.extui %ge3A_158 : i1 to i32
      %cond3A_160 = arith.constant 0 : i32
      %cond3A_161 = arith.cmpi ne, %convert_element_type3A_159, %cond3A_160 : i32
      scf.if %cond3A_161 {
        %dma_wait3A_247 = arith.constant 1 : i32
        %dma_wait3A_248 = arith.constant 0 : i32
        %dma_wait3A_249 = arith.constant 0 : i32
        %dma_wait3A_250 = tpu.memref_slice %arg6[%dma_wait3A_247, %dma_wait3A_248, %dma_wait3A_249] : memref<2x512x64xf32, #tpu.memory_space<vmem>> -> memref<1x512x64xf32, #tpu.memory_space<vmem>>
        %dma_wait3A_251 = tpu.memref_squeeze %dma_wait3A_250 : memref<1x512x64xf32, #tpu.memory_space<vmem>> -> memref<512x64xf32, #tpu.memory_space<vmem>>
        %dma_wait3A_252 = arith.constant 0 : i32
        %dma_wait3A_253 = arith.constant 0 : i32
        %dma_wait3A_254 = tpu.memref_slice %arg3[%dma_wait3A_252, %dma_wait3A_253] : memref<100000x64xf32, #tpu.memory_space<hbm>> -> memref<512x64xf32, #tpu.memory_space<hbm>>
        %dma_wait3A_255 = arith.constant 0 : i32
        %dma_wait3A_256 = arith.constant 0 : i32
        %dma_wait3A_257 = tpu.memref_slice %arg6[%dma_wait3A_247, %dma_wait3A_255, %dma_wait3A_256] : memref<2x512x64xf32, #tpu.memory_space<vmem>> -> memref<1x512x64xf32, #tpu.memory_space<vmem>>
        %dma_wait3A_258 = tpu.memref_squeeze %dma_wait3A_257 : memref<1x512x64xf32, #tpu.memory_space<vmem>> -> memref<512x64xf32, #tpu.memory_space<vmem>>
        %dma_wait3A_259 = arith.constant 0 : i32
        %dma_wait3A_260 = arith.constant 0 : i32
        %dma_wait3A_261 = tpu.memref_slice %arg3[%dma_wait3A_259, %dma_wait3A_260] : memref<100000x64xf32, #tpu.memory_space<hbm>> -> memref<512x64xf32, #tpu.memory_space<hbm>>
        tpu.wait_dma2 semaphore(%arg8 : memref<!tpu.dma_semaphore, #tpu.memory_space<semaphore_mem>>) src(%dma_wait3A_261 : memref<512x64xf32, #tpu.memory_space<hbm>>) dst(%dma_wait3A_258 : memref<512x64xf32, #tpu.memory_space<vmem>>)
        %sub3A_262 = arith.constant 1 : i32
        %sub3A_263 = arith.subi %add3A_97, %sub3A_262 : i32
        %mul3A_264 = arith.constant 512 : i32
        %mul3A_265 = arith.muli %sub3A_263, %mul3A_264 : i32
        %add3A_266 = arith.addi %mul3A_2, %mul3A_265 : i32
        %jit3A_267 = arith.constant 4096 : i32
        %div3A_268 = arith.divsi %add3A_266, %jit3A_267 : i32
        %sign3A_269 = arith.constant 0 : i32
        %sign3A_270 = arith.cmpi sgt, %add3A_266, %sign3A_269 : i32
        %sign3A_271 = arith.extui %sign3A_270 : i1 to i32
        %sign3A_272 = arith.constant 0 : i32
        %sign3A_273 = arith.cmpi slt, %add3A_266, %sign3A_272 : i32
        %sign3A_274 = arith.extui %sign3A_273 : i1 to i32
        %sign3A_275 = arith.subi %sign3A_271, %sign3A_274 : i32
        %sign3A_276 = arith.constant 0 : i32
        %sign3A_277 = arith.cmpi sgt, %jit3A_267, %sign3A_276 : i32
        %sign3A_278 = arith.extui %sign3A_277 : i1 to i32
        %sign3A_279 = arith.constant 0 : i32
        %sign3A_280 = arith.cmpi slt, %jit3A_267, %sign3A_279 : i32
        %sign3A_281 = arith.extui %sign3A_280 : i1 to i32
        %sign3A_282 = arith.subi %sign3A_278, %sign3A_281 : i32
        %ne3A_283 = arith.cmpi ne, %sign3A_275, %sign3A_282 : i32
        %rem3A_284 = arith.remsi %add3A_266, %jit3A_267 : i32
        %ne3A_285 = arith.constant 0 : i32
        %ne3A_286 = arith.cmpi ne, %rem3A_284, %ne3A_285 : i32
        %and3A_287 = arith.andi %ne3A_283, %ne3A_286 : i1
        %sub3A_288 = arith.constant 1 : i32
        %sub3A_289 = arith.subi %div3A_268, %sub3A_288 : i32
        %select_n3A_290 = arith.select %and3A_287, %sub3A_289, %div3A_268 : i32
        %mul3A_291 = arith.constant 4096 : i32
        %mul3A_292 = arith.muli %select_n3A_290, %mul3A_291 : i32
        %sub3A_293 = arith.subi %add3A_266, %mul3A_292 : i32
        %dma_start3A_294 = arith.constant 1 : i32
        %dma_start3A_295 = arith.constant 0 : i32
        %dma_start3A_296 = arith.constant 0 : i32
        %dma_start3A_297 = tpu.memref_slice %arg6[%dma_start3A_294, %dma_start3A_295, %dma_start3A_296] : memref<2x512x64xf32, #tpu.memory_space<vmem>> -> memref<1x512x64xf32, #tpu.memory_space<vmem>>
        %dma_start3A_298 = tpu.memref_squeeze %dma_start3A_297 : memref<1x512x64xf32, #tpu.memory_space<vmem>> -> memref<512x64xf32, #tpu.memory_space<vmem>>
        %dma_start3A_299 = arith.constant 0 : i32
        %dma_start3A_300 = tpu.memref_slice %arg4[%select_n3A_290, %sub3A_293, %dma_start3A_299] : memref<200x4096x128xf32, #tpu.memory_space<hbm>> -> memref<1x512x64xf32, #tpu.memory_space<hbm>>
        %dma_start3A_301 = tpu.memref_squeeze %dma_start3A_300 : memref<1x512x64xf32, #tpu.memory_space<hbm>> -> memref<512x64xf32, #tpu.memory_space<hbm>>
        %dma_start3A_302 = arith.constant 0 : i32
        %dma_start3A_303 = tpu.memref_slice %arg4[%select_n3A_290, %sub3A_293, %dma_start3A_302] : memref<200x4096x128xf32, #tpu.memory_space<hbm>> -> memref<1x512x64xf32, #tpu.memory_space<hbm>>
        %dma_start3A_304 = tpu.memref_squeeze %dma_start3A_303 : memref<1x512x64xf32, #tpu.memory_space<hbm>> -> memref<512x64xf32, #tpu.memory_space<hbm>>
        %dma_start3A_305 = arith.constant 0 : i32
        %dma_start3A_306 = arith.constant 0 : i32
        %dma_start3A_307 = tpu.memref_slice %arg6[%dma_start3A_294, %dma_start3A_305, %dma_start3A_306] : memref<2x512x64xf32, #tpu.memory_space<vmem>> -> memref<1x512x64xf32, #tpu.memory_space<vmem>>
        %dma_start3A_308 = tpu.memref_squeeze %dma_start3A_307 : memref<1x512x64xf32, #tpu.memory_space<vmem>> -> memref<512x64xf32, #tpu.memory_space<vmem>>
        tpu.enqueue_dma source(%dma_start3A_308 : memref<512x64xf32, #tpu.memory_space<vmem>>) target(%dma_start3A_304 : memref<512x64xf32, #tpu.memory_space<hbm>>) target_semaphore(%arg10 : memref<!tpu.dma_semaphore, #tpu.memory_space<semaphore_mem>>)
      } else {
      }
      %add3A_162 = arith.constant 1 : i32
      %add3A_163 = arith.addi %add3A_97, %add3A_162 : i32
      %lt3A = arith.constant 50 : i32
      %lt3A_164 = arith.cmpi slt, %add3A_163, %lt3A : i32
      %convert_element_type3A_165 = arith.extui %lt3A_164 : i1 to i32
      %cond3A_166 = arith.constant 0 : i32
      %cond3A_167 = arith.cmpi ne, %convert_element_type3A_165, %cond3A_166 : i32
      scf.if %cond3A_167 {
        %add3A_247 = arith.constant 1 : i32
        %add3A_248 = arith.addi %add3A_97, %add3A_247 : i32
        %mul3A_249 = arith.constant 512 : i32
        %mul3A_250 = arith.muli %add3A_248, %mul3A_249 : i32
        %add3A_251 = arith.addi %mul3A_2, %mul3A_250 : i32
        %dma_start3A_252 = arith.constant 1 : i32
        %dma_start3A_253 = arith.constant 0 : i32
        %dma_start3A_254 = tpu.memref_slice %arg5[%dma_start3A_252, %dma_start3A_253] : memref<2x512xi32, #tpu.memory_space<vmem>> -> memref<1x512xi32, #tpu.memory_space<vmem>>
        %dma_start3A_255 = tpu.memref_squeeze %dma_start3A_254 : memref<1x512xi32, #tpu.memory_space<vmem>> -> memref<512xi32, #tpu.memory_space<vmem>>
        %dma_start3A_256 = tpu.memref_slice %arg2[%add3A_251] : memref<819200xi32, #tpu.memory_space<hbm>> -> memref<512xi32, #tpu.memory_space<hbm>>
        %dma_start3A_257 = arith.constant 0 : i32
        %dma_start3A_258 = tpu.memref_slice %arg5[%dma_start3A_252, %dma_start3A_257] : memref<2x512xi32, #tpu.memory_space<vmem>> -> memref<1x512xi32, #tpu.memory_space<vmem>>
        %dma_start3A_259 = tpu.memref_squeeze %dma_start3A_258 : memref<1x512xi32, #tpu.memory_space<vmem>> -> memref<512xi32, #tpu.memory_space<vmem>>
        %dma_start3A_260 = tpu.memref_slice %arg2[%add3A_251] : memref<819200xi32, #tpu.memory_space<hbm>> -> memref<512xi32, #tpu.memory_space<hbm>>
        tpu.enqueue_dma source(%dma_start3A_260 : memref<512xi32, #tpu.memory_space<hbm>>) target(%dma_start3A_259 : memref<512xi32, #tpu.memory_space<vmem>>) target_semaphore(%arg12 : memref<!tpu.dma_semaphore, #tpu.memory_space<semaphore_mem>>)
      } else {
      }
      %mul3A_168 = arith.constant 2 : i32
      %mul3A_169 = arith.muli %scan3A_93, %mul3A_168 : i32
      %add3A_170 = arith.constant 1 : i32
      %add3A_171 = arith.addi %mul3A_169, %add3A_170 : i32
      %ge3A_172 = arith.constant 2 : i32
      %ge3A_173 = arith.cmpi sge, %add3A_171, %ge3A_172 : i32
      %convert_element_type3A_174 = arith.extui %ge3A_173 : i1 to i32
      %cond3A_175 = arith.constant 0 : i32
      %cond3A_176 = arith.cmpi ne, %convert_element_type3A_174, %cond3A_175 : i32
      scf.if %cond3A_176 {
        %dma_wait3A_247 = arith.constant 1 : i32
        %dma_wait3A_248 = arith.constant 0 : i32
        %dma_wait3A_249 = arith.constant 0 : i32
        %dma_wait3A_250 = arith.constant 0 : i32
        %dma_wait3A_251 = tpu.memref_slice %arg6[%dma_wait3A_247, %dma_wait3A_249, %dma_wait3A_250] : memref<2x512x64xf32, #tpu.memory_space<vmem>> -> memref<1x512x64xf32, #tpu.memory_space<vmem>>
        %dma_wait3A_252 = tpu.memref_squeeze %dma_wait3A_251 : memref<1x512x64xf32, #tpu.memory_space<vmem>> -> memref<512x64xf32, #tpu.memory_space<vmem>>
        %dma_wait3A_253 = arith.constant 0 : i32
        %dma_wait3A_254 = arith.constant 0 : i32
        %dma_wait3A_255 = tpu.memref_slice %arg4[%dma_wait3A_248, %dma_wait3A_253, %dma_wait3A_254] : memref<200x4096x128xf32, #tpu.memory_space<hbm>> -> memref<1x512x64xf32, #tpu.memory_space<hbm>>
        %dma_wait3A_256 = tpu.memref_squeeze %dma_wait3A_255 : memref<1x512x64xf32, #tpu.memory_space<hbm>> -> memref<512x64xf32, #tpu.memory_space<hbm>>
        %dma_wait3A_257 = arith.constant 0 : i32
        %dma_wait3A_258 = arith.constant 0 : i32
        %dma_wait3A_259 = tpu.memref_slice %arg4[%dma_wait3A_248, %dma_wait3A_257, %dma_wait3A_258] : memref<200x4096x128xf32, #tpu.memory_space<hbm>> -> memref<1x512x64xf32, #tpu.memory_space<hbm>>
        %dma_wait3A_260 = tpu.memref_squeeze %dma_wait3A_259 : memref<1x512x64xf32, #tpu.memory_space<hbm>> -> memref<512x64xf32, #tpu.memory_space<hbm>>
        %dma_wait3A_261 = arith.constant 0 : i32
        %dma_wait3A_262 = arith.constant 0 : i32
        %dma_wait3A_263 = tpu.memref_slice %arg6[%dma_wait3A_247, %dma_wait3A_261, %dma_wait3A_262] : memref<2x512x64xf32, #tpu.memory_space<vmem>> -> memref<1x512x64xf32, #tpu.memory_space<vmem>>
        %dma_wait3A_264 = tpu.memref_squeeze %dma_wait3A_263 : memref<1x512x64xf32, #tpu.memory_space<vmem>> -> memref<512x64xf32, #tpu.memory_space<vmem>>
        tpu.wait_dma2 semaphore(%arg10 : memref<!tpu.dma_semaphore, #tpu.memory_space<semaphore_mem>>) src(%dma_wait3A_264 : memref<512x64xf32, #tpu.memory_space<vmem>>) dst(%dma_wait3A_260 : memref<512x64xf32, #tpu.memory_space<hbm>>)
      } else {
      }
      %ge3A_177 = arith.constant 1 : i32
      %ge3A_178 = arith.cmpi sge, %add3A_171, %ge3A_177 : i32
      %convert_element_type3A_179 = arith.extui %ge3A_178 : i1 to i32
      %cond3A_180 = arith.constant 0 : i32
      %cond3A_181 = arith.cmpi ne, %convert_element_type3A_179, %cond3A_180 : i32
      scf.if %cond3A_181 {
        %dma_wait3A_247 = arith.constant 1 : i32
        %dma_wait3A_248 = arith.constant 0 : i32
        %dma_wait3A_249 = tpu.memref_slice %arg5[%dma_wait3A_247, %dma_wait3A_248] : memref<2x512xi32, #tpu.memory_space<vmem>> -> memref<1x512xi32, #tpu.memory_space<vmem>>
        %dma_wait3A_250 = tpu.memref_squeeze %dma_wait3A_249 : memref<1x512xi32, #tpu.memory_space<vmem>> -> memref<512xi32, #tpu.memory_space<vmem>>
        %dma_wait3A_251 = arith.constant 0 : i32
        %dma_wait3A_252 = tpu.memref_slice %arg2[%dma_wait3A_251] : memref<819200xi32, #tpu.memory_space<hbm>> -> memref<512xi32, #tpu.memory_space<hbm>>
        %dma_wait3A_253 = arith.constant 0 : i32
        %dma_wait3A_254 = tpu.memref_slice %arg5[%dma_wait3A_247, %dma_wait3A_253] : memref<2x512xi32, #tpu.memory_space<vmem>> -> memref<1x512xi32, #tpu.memory_space<vmem>>
        %dma_wait3A_255 = tpu.memref_squeeze %dma_wait3A_254 : memref<1x512xi32, #tpu.memory_space<vmem>> -> memref<512xi32, #tpu.memory_space<vmem>>
        %dma_wait3A_256 = arith.constant 0 : i32
        %dma_wait3A_257 = tpu.memref_slice %arg2[%dma_wait3A_256] : memref<819200xi32, #tpu.memory_space<hbm>> -> memref<512xi32, #tpu.memory_space<hbm>>
        tpu.wait_dma2 semaphore(%arg12 : memref<!tpu.dma_semaphore, #tpu.memory_space<semaphore_mem>>) src(%dma_wait3A_257 : memref<512xi32, #tpu.memory_space<hbm>>) dst(%dma_wait3A_255 : memref<512xi32, #tpu.memory_space<vmem>>)
      } else {
      }
      %eq3A_182 = arith.constant 0 : i32
      %eq3A_183 = arith.cmpi eq, %add3A_171, %eq3A_182 : i32
      %convert_element_type3A_184 = arith.extui %eq3A_183 : i1 to i32
      %cond3A_185 = arith.constant 0 : i32
      %cond3A_186 = arith.cmpi ne, %convert_element_type3A_184, %cond3A_185 : i32
      scf.if %cond3A_186 {
        %run_scoped3A = arith.constant 1 : i32
        "tpu.region"() ({
          %run_scoped3A_247 = tpu.sem_alloc : memref<!tpu.dma_semaphore, #tpu.memory_space<semaphore_mem>>
          %dma_start3A_248 = arith.constant 0 : i32
          %dma_start3A_249 = tpu.memref_slice %arg5[%run_scoped3A, %dma_start3A_248] : memref<2x512xi32, #tpu.memory_space<vmem>> -> memref<1x512xi32, #tpu.memory_space<vmem>>
          %dma_start3A_250 = tpu.memref_squeeze %dma_start3A_249 : memref<1x512xi32, #tpu.memory_space<vmem>> -> memref<512xi32, #tpu.memory_space<vmem>>
          %dma_start3A_251 = tpu.memref_slice %arg2[%mul3A_2] : memref<819200xi32, #tpu.memory_space<hbm>> -> memref<512xi32, #tpu.memory_space<hbm>>
          %dma_start3A_252 = arith.constant 0 : i32
          %dma_start3A_253 = tpu.memref_slice %arg5[%run_scoped3A, %dma_start3A_252] : memref<2x512xi32, #tpu.memory_space<vmem>> -> memref<1x512xi32, #tpu.memory_space<vmem>>
          %dma_start3A_254 = tpu.memref_squeeze %dma_start3A_253 : memref<1x512xi32, #tpu.memory_space<vmem>> -> memref<512xi32, #tpu.memory_space<vmem>>
          %dma_start3A_255 = tpu.memref_slice %arg2[%mul3A_2] : memref<819200xi32, #tpu.memory_space<hbm>> -> memref<512xi32, #tpu.memory_space<hbm>>
          tpu.enqueue_dma source(%dma_start3A_255 : memref<512xi32, #tpu.memory_space<hbm>>) target(%dma_start3A_254 : memref<512xi32, #tpu.memory_space<vmem>>) target_semaphore(%run_scoped3A_247 : memref<!tpu.dma_semaphore, #tpu.memory_space<semaphore_mem>>)
          %dma_wait3A_256 = arith.constant 0 : i32
          %dma_wait3A_257 = tpu.memref_slice %arg5[%run_scoped3A, %dma_wait3A_256] : memref<2x512xi32, #tpu.memory_space<vmem>> -> memref<1x512xi32, #tpu.memory_space<vmem>>
          %dma_wait3A_258 = tpu.memref_squeeze %dma_wait3A_257 : memref<1x512xi32, #tpu.memory_space<vmem>> -> memref<512xi32, #tpu.memory_space<vmem>>
          %dma_wait3A_259 = tpu.memref_slice %arg2[%mul3A_2] : memref<819200xi32, #tpu.memory_space<hbm>> -> memref<512xi32, #tpu.memory_space<hbm>>
          %dma_wait3A_260 = arith.constant 0 : i32
          %dma_wait3A_261 = tpu.memref_slice %arg5[%run_scoped3A, %dma_wait3A_260] : memref<2x512xi32, #tpu.memory_space<vmem>> -> memref<1x512xi32, #tpu.memory_space<vmem>>
          %dma_wait3A_262 = tpu.memref_squeeze %dma_wait3A_261 : memref<1x512xi32, #tpu.memory_space<vmem>> -> memref<512xi32, #tpu.memory_space<vmem>>
          %dma_wait3A_263 = tpu.memref_slice %arg2[%mul3A_2] : memref<819200xi32, #tpu.memory_space<hbm>> -> memref<512xi32, #tpu.memory_space<hbm>>
          tpu.wait_dma2 semaphore(%run_scoped3A_247 : memref<!tpu.dma_semaphore, #tpu.memory_space<semaphore_mem>>) src(%dma_wait3A_263 : memref<512xi32, #tpu.memory_space<hbm>>) dst(%dma_wait3A_262 : memref<512xi32, #tpu.memory_space<vmem>>)
          tpu.yield
        }) : () -> ()
      } else {
      }
      %dma_start3A_187 = arith.constant 1 : i32
      %dma_start3A_188 = arith.constant 1 : i32
      %dma_start3A_189 = arith.constant 0 : i32
      %dma_start3A_190 = arith.constant 0 : i32
      %dma_start3A_191 = tpu.memref_slice %arg6[%dma_start3A_188, %dma_start3A_189, %dma_start3A_190] : memref<2x512x64xf32, #tpu.memory_space<vmem>> -> memref<1x128x64xf32, #tpu.memory_space<vmem>>
      %dma_start3A_192 = tpu.memref_squeeze %dma_start3A_191 : memref<1x128x64xf32, #tpu.memory_space<vmem>> -> memref<128x64xf32, #tpu.memory_space<vmem>>
      %dma_start3A_193 = arith.constant 0 : i32
      %dma_start3A_194 = tpu.memref_slice %arg5[%dma_start3A_187, %dma_start3A_193] : memref<2x512xi32, #tpu.memory_space<vmem>> -> memref<1x128xi32, #tpu.memory_space<vmem>>
      %dma_start3A_195 = tpu.memref_squeeze %dma_start3A_194 : memref<1x128xi32, #tpu.memory_space<vmem>> -> memref<128xi32, #tpu.memory_space<vmem>>
      %dma_start3A_196 = arith.constant 0 : i32
      %dma_start3A_197 = arith.constant 0 : i32
      %dma_start3A_198 = tpu.memref_slice %arg3[%dma_start3A_196, %dma_start3A_197] : memref<100000x64xf32, #tpu.memory_space<hbm>> -> memref<100000x64xf32, #tpu.memory_space<hbm>>
      tpu.enqueue_indirect_dma source(%dma_start3A_198 : memref<100000x64xf32, #tpu.memory_space<hbm>>) target(%dma_start3A_192 : memref<128x64xf32, #tpu.memory_space<vmem>>) offsets(%dma_start3A_195 : memref<128xi32, #tpu.memory_space<vmem>>) semaphore(%arg8 : memref<!tpu.dma_semaphore, #tpu.memory_space<semaphore_mem>>)
      %dma_start3A_199 = arith.constant 1 : i32
      %dma_start3A_200 = arith.constant 1 : i32
      %dma_start3A_201 = arith.constant 128 : i32
      %dma_start3A_202 = arith.constant 0 : i32
      %dma_start3A_203 = tpu.memref_slice %arg6[%dma_start3A_200, %dma_start3A_201, %dma_start3A_202] : memref<2x512x64xf32, #tpu.memory_space<vmem>> -> memref<1x128x64xf32, #tpu.memory_space<vmem>>
      %dma_start3A_204 = tpu.memref_squeeze %dma_start3A_203 : memref<1x128x64xf32, #tpu.memory_space<vmem>> -> memref<128x64xf32, #tpu.memory_space<vmem>>
      %dma_start3A_205 = arith.constant 128 : i32
      %dma_start3A_206 = tpu.memref_slice %arg5[%dma_start3A_199, %dma_start3A_205] : memref<2x512xi32, #tpu.memory_space<vmem>> -> memref<1x128xi32, #tpu.memory_space<vmem>>
      %dma_start3A_207 = tpu.memref_squeeze %dma_start3A_206 : memref<1x128xi32, #tpu.memory_space<vmem>> -> memref<128xi32, #tpu.memory_space<vmem>>
      %dma_start3A_208 = arith.constant 0 : i32
      %dma_start3A_209 = arith.constant 0 : i32
      %dma_start3A_210 = tpu.memref_slice %arg3[%dma_start3A_208, %dma_start3A_209] : memref<100000x64xf32, #tpu.memory_space<hbm>> -> memref<100000x64xf32, #tpu.memory_space<hbm>>
      tpu.enqueue_indirect_dma source(%dma_start3A_210 : memref<100000x64xf32, #tpu.memory_space<hbm>>) target(%dma_start3A_204 : memref<128x64xf32, #tpu.memory_space<vmem>>) offsets(%dma_start3A_207 : memref<128xi32, #tpu.memory_space<vmem>>) semaphore(%arg8 : memref<!tpu.dma_semaphore, #tpu.memory_space<semaphore_mem>>)
      %dma_start3A_211 = arith.constant 1 : i32
      %dma_start3A_212 = arith.constant 1 : i32
      %dma_start3A_213 = arith.constant 256 : i32
      %dma_start3A_214 = arith.constant 0 : i32
      %dma_start3A_215 = tpu.memref_slice %arg6[%dma_start3A_212, %dma_start3A_213, %dma_start3A_214] : memref<2x512x64xf32, #tpu.memory_space<vmem>> -> memref<1x128x64xf32, #tpu.memory_space<vmem>>
      %dma_start3A_216 = tpu.memref_squeeze %dma_start3A_215 : memref<1x128x64xf32, #tpu.memory_space<vmem>> -> memref<128x64xf32, #tpu.memory_space<vmem>>
      %dma_start3A_217 = arith.constant 256 : i32
      %dma_start3A_218 = tpu.memref_slice %arg5[%dma_start3A_211, %dma_start3A_217] : memref<2x512xi32, #tpu.memory_space<vmem>> -> memref<1x128xi32, #tpu.memory_space<vmem>>
      %dma_start3A_219 = tpu.memref_squeeze %dma_start3A_218 : memref<1x128xi32, #tpu.memory_space<vmem>> -> memref<128xi32, #tpu.memory_space<vmem>>
      %dma_start3A_220 = arith.constant 0 : i32
      %dma_start3A_221 = arith.constant 0 : i32
      %dma_start3A_222 = tpu.memref_slice %arg3[%dma_start3A_220, %dma_start3A_221] : memref<100000x64xf32, #tpu.memory_space<hbm>> -> memref<100000x64xf32, #tpu.memory_space<hbm>>
      tpu.enqueue_indirect_dma source(%dma_start3A_222 : memref<100000x64xf32, #tpu.memory_space<hbm>>) target(%dma_start3A_216 : memref<128x64xf32, #tpu.memory_space<vmem>>) offsets(%dma_start3A_219 : memref<128xi32, #tpu.memory_space<vmem>>) semaphore(%arg8 : memref<!tpu.dma_semaphore, #tpu.memory_space<semaphore_mem>>)
      %dma_start3A_223 = arith.constant 1 : i32
      %dma_start3A_224 = arith.constant 1 : i32
      %dma_start3A_225 = arith.constant 384 : i32
      %dma_start3A_226 = arith.constant 0 : i32
      %dma_start3A_227 = tpu.memref_slice %arg6[%dma_start3A_224, %dma_start3A_225, %dma_start3A_226] : memref<2x512x64xf32, #tpu.memory_space<vmem>> -> memref<1x128x64xf32, #tpu.memory_space<vmem>>
      %dma_start3A_228 = tpu.memref_squeeze %dma_start3A_227 : memref<1x128x64xf32, #tpu.memory_space<vmem>> -> memref<128x64xf32, #tpu.memory_space<vmem>>
      %dma_start3A_229 = arith.constant 384 : i32
      %dma_start3A_230 = tpu.memref_slice %arg5[%dma_start3A_223, %dma_start3A_229] : memref<2x512xi32, #tpu.memory_space<vmem>> -> memref<1x128xi32, #tpu.memory_space<vmem>>
      %dma_start3A_231 = tpu.memref_squeeze %dma_start3A_230 : memref<1x128xi32, #tpu.memory_space<vmem>> -> memref<128xi32, #tpu.memory_space<vmem>>
      %dma_start3A_232 = arith.constant 0 : i32
      %dma_start3A_233 = arith.constant 0 : i32
      %dma_start3A_234 = tpu.memref_slice %arg3[%dma_start3A_232, %dma_start3A_233] : memref<100000x64xf32, #tpu.memory_space<hbm>> -> memref<100000x64xf32, #tpu.memory_space<hbm>>
      tpu.enqueue_indirect_dma source(%dma_start3A_234 : memref<100000x64xf32, #tpu.memory_space<hbm>>) target(%dma_start3A_228 : memref<128x64xf32, #tpu.memory_space<vmem>>) offsets(%dma_start3A_231 : memref<128xi32, #tpu.memory_space<vmem>>) semaphore(%arg8 : memref<!tpu.dma_semaphore, #tpu.memory_space<semaphore_mem>>)
      %ge3A_235 = arith.constant 1 : i32
      %ge3A_236 = arith.cmpi sge, %add3A_171, %ge3A_235 : i32
      %convert_element_type3A_237 = arith.extui %ge3A_236 : i1 to i32
      %cond3A_238 = arith.constant 0 : i32
      %cond3A_239 = arith.cmpi ne, %convert_element_type3A_237, %cond3A_238 : i32
      scf.if %cond3A_239 {
        %dma_wait3A_247 = arith.constant 0 : i32
        %dma_wait3A_248 = arith.constant 0 : i32
        %dma_wait3A_249 = arith.constant 0 : i32
        %dma_wait3A_250 = tpu.memref_slice %arg6[%dma_wait3A_247, %dma_wait3A_248, %dma_wait3A_249] : memref<2x512x64xf32, #tpu.memory_space<vmem>> -> memref<1x512x64xf32, #tpu.memory_space<vmem>>
        %dma_wait3A_251 = tpu.memref_squeeze %dma_wait3A_250 : memref<1x512x64xf32, #tpu.memory_space<vmem>> -> memref<512x64xf32, #tpu.memory_space<vmem>>
        %dma_wait3A_252 = arith.constant 0 : i32
        %dma_wait3A_253 = arith.constant 0 : i32
        %dma_wait3A_254 = tpu.memref_slice %arg3[%dma_wait3A_252, %dma_wait3A_253] : memref<100000x64xf32, #tpu.memory_space<hbm>> -> memref<512x64xf32, #tpu.memory_space<hbm>>
        %dma_wait3A_255 = arith.constant 0 : i32
        %dma_wait3A_256 = arith.constant 0 : i32
        %dma_wait3A_257 = tpu.memref_slice %arg6[%dma_wait3A_247, %dma_wait3A_255, %dma_wait3A_256] : memref<2x512x64xf32, #tpu.memory_space<vmem>> -> memref<1x512x64xf32, #tpu.memory_space<vmem>>
        %dma_wait3A_258 = tpu.memref_squeeze %dma_wait3A_257 : memref<1x512x64xf32, #tpu.memory_space<vmem>> -> memref<512x64xf32, #tpu.memory_space<vmem>>
        %dma_wait3A_259 = arith.constant 0 : i32
        %dma_wait3A_260 = arith.constant 0 : i32
        %dma_wait3A_261 = tpu.memref_slice %arg3[%dma_wait3A_259, %dma_wait3A_260] : memref<100000x64xf32, #tpu.memory_space<hbm>> -> memref<512x64xf32, #tpu.memory_space<hbm>>
        tpu.wait_dma2 semaphore(%arg7 : memref<!tpu.dma_semaphore, #tpu.memory_space<semaphore_mem>>) src(%dma_wait3A_261 : memref<512x64xf32, #tpu.memory_space<hbm>>) dst(%dma_wait3A_258 : memref<512x64xf32, #tpu.memory_space<vmem>>)
        %sub3A_262 = arith.constant 1 : i32
        %sub3A_263 = arith.subi %add3A_171, %sub3A_262 : i32
        %mul3A_264 = arith.constant 512 : i32
        %mul3A_265 = arith.muli %sub3A_263, %mul3A_264 : i32
        %add3A_266 = arith.addi %mul3A_2, %mul3A_265 : i32
        %jit3A_267 = arith.constant 4096 : i32
        %div3A_268 = arith.divsi %add3A_266, %jit3A_267 : i32
        %sign3A_269 = arith.constant 0 : i32
        %sign3A_270 = arith.cmpi sgt, %add3A_266, %sign3A_269 : i32
        %sign3A_271 = arith.extui %sign3A_270 : i1 to i32
        %sign3A_272 = arith.constant 0 : i32
        %sign3A_273 = arith.cmpi slt, %add3A_266, %sign3A_272 : i32
        %sign3A_274 = arith.extui %sign3A_273 : i1 to i32
        %sign3A_275 = arith.subi %sign3A_271, %sign3A_274 : i32
        %sign3A_276 = arith.constant 0 : i32
        %sign3A_277 = arith.cmpi sgt, %jit3A_267, %sign3A_276 : i32
        %sign3A_278 = arith.extui %sign3A_277 : i1 to i32
        %sign3A_279 = arith.constant 0 : i32
        %sign3A_280 = arith.cmpi slt, %jit3A_267, %sign3A_279 : i32
        %sign3A_281 = arith.extui %sign3A_280 : i1 to i32
        %sign3A_282 = arith.subi %sign3A_278, %sign3A_281 : i32
        %ne3A_283 = arith.cmpi ne, %sign3A_275, %sign3A_282 : i32
        %rem3A_284 = arith.remsi %add3A_266, %jit3A_267 : i32
        %ne3A_285 = arith.constant 0 : i32
        %ne3A_286 = arith.cmpi ne, %rem3A_284, %ne3A_285 : i32
        %and3A_287 = arith.andi %ne3A_283, %ne3A_286 : i1
        %sub3A_288 = arith.constant 1 : i32
        %sub3A_289 = arith.subi %div3A_268, %sub3A_288 : i32
        %select_n3A_290 = arith.select %and3A_287, %sub3A_289, %div3A_268 : i32
        %mul3A_291 = arith.constant 4096 : i32
        %mul3A_292 = arith.muli %select_n3A_290, %mul3A_291 : i32
        %sub3A_293 = arith.subi %add3A_266, %mul3A_292 : i32
        %dma_start3A_294 = arith.constant 0 : i32
        %dma_start3A_295 = arith.constant 0 : i32
        %dma_start3A_296 = arith.constant 0 : i32
        %dma_start3A_297 = tpu.memref_slice %arg6[%dma_start3A_294, %dma_start3A_295, %dma_start3A_296] : memref<2x512x64xf32, #tpu.memory_space<vmem>> -> memref<1x512x64xf32, #tpu.memory_space<vmem>>
        %dma_start3A_298 = tpu.memref_squeeze %dma_start3A_297 : memref<1x512x64xf32, #tpu.memory_space<vmem>> -> memref<512x64xf32, #tpu.memory_space<vmem>>
        %dma_start3A_299 = arith.constant 0 : i32
        %dma_start3A_300 = tpu.memref_slice %arg4[%select_n3A_290, %sub3A_293, %dma_start3A_299] : memref<200x4096x128xf32, #tpu.memory_space<hbm>> -> memref<1x512x64xf32, #tpu.memory_space<hbm>>
        %dma_start3A_301 = tpu.memref_squeeze %dma_start3A_300 : memref<1x512x64xf32, #tpu.memory_space<hbm>> -> memref<512x64xf32, #tpu.memory_space<hbm>>
        %dma_start3A_302 = arith.constant 0 : i32
        %dma_start3A_303 = tpu.memref_slice %arg4[%select_n3A_290, %sub3A_293, %dma_start3A_302] : memref<200x4096x128xf32, #tpu.memory_space<hbm>> -> memref<1x512x64xf32, #tpu.memory_space<hbm>>
        %dma_start3A_304 = tpu.memref_squeeze %dma_start3A_303 : memref<1x512x64xf32, #tpu.memory_space<hbm>> -> memref<512x64xf32, #tpu.memory_space<hbm>>
        %dma_start3A_305 = arith.constant 0 : i32
        %dma_start3A_306 = arith.constant 0 : i32
        %dma_start3A_307 = tpu.memref_slice %arg6[%dma_start3A_294, %dma_start3A_305, %dma_start3A_306] : memref<2x512x64xf32, #tpu.memory_space<vmem>> -> memref<1x512x64xf32, #tpu.memory_space<vmem>>
        %dma_start3A_308 = tpu.memref_squeeze %dma_start3A_307 : memref<1x512x64xf32, #tpu.memory_space<vmem>> -> memref<512x64xf32, #tpu.memory_space<vmem>>
        tpu.enqueue_dma source(%dma_start3A_308 : memref<512x64xf32, #tpu.memory_space<vmem>>) target(%dma_start3A_304 : memref<512x64xf32, #tpu.memory_space<hbm>>) target_semaphore(%arg9 : memref<!tpu.dma_semaphore, #tpu.memory_space<semaphore_mem>>)
      } else {
      }
      %add3A_240 = arith.constant 1 : i32
      %add3A_241 = arith.addi %add3A_171, %add3A_240 : i32
      %lt3A_242 = arith.constant 50 : i32
      %lt3A_243 = arith.cmpi slt, %add3A_241, %lt3A_242 : i32
      %convert_element_type3A_244 = arith.extui %lt3A_243 : i1 to i32
      %cond3A_245 = arith.constant 0 : i32
      %cond3A_246 = arith.cmpi ne, %convert_element_type3A_244, %cond3A_245 : i32
      scf.if %cond3A_246 {
        %add3A_247 = arith.constant 1 : i32
        %add3A_248 = arith.addi %add3A_171, %add3A_247 : i32
        %mul3A_249 = arith.constant 512 : i32
        %mul3A_250 = arith.muli %add3A_248, %mul3A_249 : i32
        %add3A_251 = arith.addi %mul3A_2, %mul3A_250 : i32
        %dma_start3A_252 = arith.constant 0 : i32
        %dma_start3A_253 = arith.constant 0 : i32
        %dma_start3A_254 = tpu.memref_slice %arg5[%dma_start3A_252, %dma_start3A_253] : memref<2x512xi32, #tpu.memory_space<vmem>> -> memref<1x512xi32, #tpu.memory_space<vmem>>
        %dma_start3A_255 = tpu.memref_squeeze %dma_start3A_254 : memref<1x512xi32, #tpu.memory_space<vmem>> -> memref<512xi32, #tpu.memory_space<vmem>>
        %dma_start3A_256 = tpu.memref_slice %arg2[%add3A_251] : memref<819200xi32, #tpu.memory_space<hbm>> -> memref<512xi32, #tpu.memory_space<hbm>>
        %dma_start3A_257 = arith.constant 0 : i32
        %dma_start3A_258 = tpu.memref_slice %arg5[%dma_start3A_252, %dma_start3A_257] : memref<2x512xi32, #tpu.memory_space<vmem>> -> memref<1x512xi32, #tpu.memory_space<vmem>>
        %dma_start3A_259 = tpu.memref_squeeze %dma_start3A_258 : memref<1x512xi32, #tpu.memory_space<vmem>> -> memref<512xi32, #tpu.memory_space<vmem>>
        %dma_start3A_260 = tpu.memref_slice %arg2[%add3A_251] : memref<819200xi32, #tpu.memory_space<hbm>> -> memref<512xi32, #tpu.memory_space<hbm>>
        tpu.enqueue_dma source(%dma_start3A_260 : memref<512xi32, #tpu.memory_space<hbm>>) target(%dma_start3A_259 : memref<512xi32, #tpu.memory_space<vmem>>) target_semaphore(%arg11 : memref<!tpu.dma_semaphore, #tpu.memory_space<semaphore_mem>>)
      } else {
      }
    }
    %scan3A_7 = arith.constant 25 : i32
    %dma_wait3A = arith.constant 1 : i32
    %dma_wait3A_8 = arith.constant 0 : i32
    %dma_wait3A_9 = arith.constant 0 : i32
    %dma_wait3A_10 = tpu.memref_slice %arg6[%dma_wait3A, %dma_wait3A_8, %dma_wait3A_9] : memref<2x512x64xf32, #tpu.memory_space<vmem>> -> memref<1x512x64xf32, #tpu.memory_space<vmem>>
    %dma_wait3A_11 = tpu.memref_squeeze %dma_wait3A_10 : memref<1x512x64xf32, #tpu.memory_space<vmem>> -> memref<512x64xf32, #tpu.memory_space<vmem>>
    %dma_wait3A_12 = arith.constant 0 : i32
    %dma_wait3A_13 = arith.constant 0 : i32
    %dma_wait3A_14 = tpu.memref_slice %arg3[%dma_wait3A_12, %dma_wait3A_13] : memref<100000x64xf32, #tpu.memory_space<hbm>> -> memref<512x64xf32, #tpu.memory_space<hbm>>
    %dma_wait3A_15 = arith.constant 0 : i32
    %dma_wait3A_16 = arith.constant 0 : i32
    %dma_wait3A_17 = tpu.memref_slice %arg6[%dma_wait3A, %dma_wait3A_15, %dma_wait3A_16] : memref<2x512x64xf32, #tpu.memory_space<vmem>> -> memref<1x512x64xf32, #tpu.memory_space<vmem>>
    %dma_wait3A_18 = tpu.memref_squeeze %dma_wait3A_17 : memref<1x512x64xf32, #tpu.memory_space<vmem>> -> memref<512x64xf32, #tpu.memory_space<vmem>>
    %dma_wait3A_19 = arith.constant 0 : i32
    %dma_wait3A_20 = arith.constant 0 : i32
    %dma_wait3A_21 = tpu.memref_slice %arg3[%dma_wait3A_19, %dma_wait3A_20] : memref<100000x64xf32, #tpu.memory_space<hbm>> -> memref<512x64xf32, #tpu.memory_space<hbm>>
    tpu.wait_dma2 semaphore(%arg8 : memref<!tpu.dma_semaphore, #tpu.memory_space<semaphore_mem>>) src(%dma_wait3A_21 : memref<512x64xf32, #tpu.memory_space<hbm>>) dst(%dma_wait3A_18 : memref<512x64xf32, #tpu.memory_space<vmem>>)
    %add3A_22 = arith.constant 25088 : i32
    %add3A_23 = arith.addi %mul3A_2, %add3A_22 : i32
    %jit3A = arith.constant 4096 : i32
    %div3A = arith.divsi %add3A_23, %jit3A : i32
    %sign3A = arith.constant 0 : i32
    %sign3A_24 = arith.cmpi sgt, %add3A_23, %sign3A : i32
    %sign3A_25 = arith.extui %sign3A_24 : i1 to i32
    %sign3A_26 = arith.constant 0 : i32
    %sign3A_27 = arith.cmpi slt, %add3A_23, %sign3A_26 : i32
    %sign3A_28 = arith.extui %sign3A_27 : i1 to i32
    %sign3A_29 = arith.subi %sign3A_25, %sign3A_28 : i32
    %sign3A_30 = arith.constant 0 : i32
    %sign3A_31 = arith.cmpi sgt, %jit3A, %sign3A_30 : i32
    %sign3A_32 = arith.extui %sign3A_31 : i1 to i32
    %sign3A_33 = arith.constant 0 : i32
    %sign3A_34 = arith.cmpi slt, %jit3A, %sign3A_33 : i32
    %sign3A_35 = arith.extui %sign3A_34 : i1 to i32
    %sign3A_36 = arith.subi %sign3A_32, %sign3A_35 : i32
    %ne3A = arith.cmpi ne, %sign3A_29, %sign3A_36 : i32
    %rem3A = arith.remsi %add3A_23, %jit3A : i32
    %ne3A_37 = arith.constant 0 : i32
    %ne3A_38 = arith.cmpi ne, %rem3A, %ne3A_37 : i32
    %and3A = arith.andi %ne3A, %ne3A_38 : i1
    %sub3A = arith.constant 1 : i32
    %sub3A_39 = arith.subi %div3A, %sub3A : i32
    %select_n3A = arith.select %and3A, %sub3A_39, %div3A : i32
    %mul3A_40 = arith.constant 4096 : i32
    %mul3A_41 = arith.muli %select_n3A, %mul3A_40 : i32
    %sub3A_42 = arith.subi %add3A_23, %mul3A_41 : i32
    %dma_start3A = arith.constant 1 : i32
    %dma_start3A_43 = arith.constant 0 : i32
    %dma_start3A_44 = arith.constant 0 : i32
    %dma_start3A_45 = tpu.memref_slice %arg6[%dma_start3A, %dma_start3A_43, %dma_start3A_44] : memref<2x512x64xf32, #tpu.memory_space<vmem>> -> memref<1x512x64xf32, #tpu.memory_space<vmem>>
    %dma_start3A_46 = tpu.memref_squeeze %dma_start3A_45 : memref<1x512x64xf32, #tpu.memory_space<vmem>> -> memref<512x64xf32, #tpu.memory_space<vmem>>
    %dma_start3A_47 = arith.constant 0 : i32
    %dma_start3A_48 = tpu.memref_slice %arg4[%select_n3A, %sub3A_42, %dma_start3A_47] : memref<200x4096x128xf32, #tpu.memory_space<hbm>> -> memref<1x512x64xf32, #tpu.memory_space<hbm>>
    %dma_start3A_49 = tpu.memref_squeeze %dma_start3A_48 : memref<1x512x64xf32, #tpu.memory_space<hbm>> -> memref<512x64xf32, #tpu.memory_space<hbm>>
    %dma_start3A_50 = arith.constant 0 : i32
    %dma_start3A_51 = tpu.memref_slice %arg4[%select_n3A, %sub3A_42, %dma_start3A_50] : memref<200x4096x128xf32, #tpu.memory_space<hbm>> -> memref<1x512x64xf32, #tpu.memory_space<hbm>>
    %dma_start3A_52 = tpu.memref_squeeze %dma_start3A_51 : memref<1x512x64xf32, #tpu.memory_space<hbm>> -> memref<512x64xf32, #tpu.memory_space<hbm>>
    %dma_start3A_53 = arith.constant 0 : i32
    %dma_start3A_54 = arith.constant 0 : i32
    %dma_start3A_55 = tpu.memref_slice %arg6[%dma_start3A, %dma_start3A_53, %dma_start3A_54] : memref<2x512x64xf32, #tpu.memory_space<vmem>> -> memref<1x512x64xf32, #tpu.memory_space<vmem>>
    %dma_start3A_56 = tpu.memref_squeeze %dma_start3A_55 : memref<1x512x64xf32, #tpu.memory_space<vmem>> -> memref<512x64xf32, #tpu.memory_space<vmem>>
    tpu.enqueue_dma source(%dma_start3A_56 : memref<512x64xf32, #tpu.memory_space<vmem>>) target(%dma_start3A_52 : memref<512x64xf32, #tpu.memory_space<hbm>>) target_semaphore(%arg10 : memref<!tpu.dma_semaphore, #tpu.memory_space<semaphore_mem>>)
    %dma_wait3A_57 = arith.constant 0 : i32
    %dma_wait3A_58 = arith.constant 0 : i32
    %dma_wait3A_59 = arith.constant 0 : i32
    %dma_wait3A_60 = arith.constant 0 : i32
    %dma_wait3A_61 = tpu.memref_slice %arg6[%dma_wait3A_57, %dma_wait3A_59, %dma_wait3A_60] : memref<2x512x64xf32, #tpu.memory_space<vmem>> -> memref<1x512x64xf32, #tpu.memory_space<vmem>>
    %dma_wait3A_62 = tpu.memref_squeeze %dma_wait3A_61 : memref<1x512x64xf32, #tpu.memory_space<vmem>> -> memref<512x64xf32, #tpu.memory_space<vmem>>
    %dma_wait3A_63 = arith.constant 0 : i32
    %dma_wait3A_64 = arith.constant 0 : i32
    %dma_wait3A_65 = tpu.memref_slice %arg4[%dma_wait3A_58, %dma_wait3A_63, %dma_wait3A_64] : memref<200x4096x128xf32, #tpu.memory_space<hbm>> -> memref<1x512x64xf32, #tpu.memory_space<hbm>>
    %dma_wait3A_66 = tpu.memref_squeeze %dma_wait3A_65 : memref<1x512x64xf32, #tpu.memory_space<hbm>> -> memref<512x64xf32, #tpu.memory_space<hbm>>
    %dma_wait3A_67 = arith.constant 0 : i32
    %dma_wait3A_68 = arith.constant 0 : i32
    %dma_wait3A_69 = tpu.memref_slice %arg4[%dma_wait3A_58, %dma_wait3A_67, %dma_wait3A_68] : memref<200x4096x128xf32, #tpu.memory_space<hbm>> -> memref<1x512x64xf32, #tpu.memory_space<hbm>>
    %dma_wait3A_70 = tpu.memref_squeeze %dma_wait3A_69 : memref<1x512x64xf32, #tpu.memory_space<hbm>> -> memref<512x64xf32, #tpu.memory_space<hbm>>
    %dma_wait3A_71 = arith.constant 0 : i32
    %dma_wait3A_72 = arith.constant 0 : i32
    %dma_wait3A_73 = tpu.memref_slice %arg6[%dma_wait3A_57, %dma_wait3A_71, %dma_wait3A_72] : memref<2x512x64xf32, #tpu.memory_space<vmem>> -> memref<1x512x64xf32, #tpu.memory_space<vmem>>
    %dma_wait3A_74 = tpu.memref_squeeze %dma_wait3A_73 : memref<1x512x64xf32, #tpu.memory_space<vmem>> -> memref<512x64xf32, #tpu.memory_space<vmem>>
    tpu.wait_dma2 semaphore(%arg9 : memref<!tpu.dma_semaphore, #tpu.memory_space<semaphore_mem>>) src(%dma_wait3A_74 : memref<512x64xf32, #tpu.memory_space<vmem>>) dst(%dma_wait3A_70 : memref<512x64xf32, #tpu.memory_space<hbm>>)
    %dma_wait3A_75 = arith.constant 1 : i32
    %dma_wait3A_76 = arith.constant 0 : i32
    %dma_wait3A_77 = arith.constant 0 : i32
    %dma_wait3A_78 = arith.constant 0 : i32
    %dma_wait3A_79 = tpu.memref_slice %arg6[%dma_wait3A_75, %dma_wait3A_77, %dma_wait3A_78] : memref<2x512x64xf32, #tpu.memory_space<vmem>> -> memref<1x512x64xf32, #tpu.memory_space<vmem>>
    %dma_wait3A_80 = tpu.memref_squeeze %dma_wait3A_79 : memref<1x512x64xf32, #tpu.memory_space<vmem>> -> memref<512x64xf32, #tpu.memory_space<vmem>>
    %dma_wait3A_81 = arith.constant 0 : i32
    %dma_wait3A_82 = arith.constant 0 : i32
    %dma_wait3A_83 = tpu.memref_slice %arg4[%dma_wait3A_76, %dma_wait3A_81, %dma_wait3A_82] : memref<200x4096x128xf32, #tpu.memory_space<hbm>> -> memref<1x512x64xf32, #tpu.memory_space<hbm>>
    %dma_wait3A_84 = tpu.memref_squeeze %dma_wait3A_83 : memref<1x512x64xf32, #tpu.memory_space<hbm>> -> memref<512x64xf32, #tpu.memory_space<hbm>>
    %dma_wait3A_85 = arith.constant 0 : i32
    %dma_wait3A_86 = arith.constant 0 : i32
    %dma_wait3A_87 = tpu.memref_slice %arg4[%dma_wait3A_76, %dma_wait3A_85, %dma_wait3A_86] : memref<200x4096x128xf32, #tpu.memory_space<hbm>> -> memref<1x512x64xf32, #tpu.memory_space<hbm>>
    %dma_wait3A_88 = tpu.memref_squeeze %dma_wait3A_87 : memref<1x512x64xf32, #tpu.memory_space<hbm>> -> memref<512x64xf32, #tpu.memory_space<hbm>>
    %dma_wait3A_89 = arith.constant 0 : i32
    %dma_wait3A_90 = arith.constant 0 : i32
    %dma_wait3A_91 = tpu.memref_slice %arg6[%dma_wait3A_75, %dma_wait3A_89, %dma_wait3A_90] : memref<2x512x64xf32, #tpu.memory_space<vmem>> -> memref<1x512x64xf32, #tpu.memory_space<vmem>>
    %dma_wait3A_92 = tpu.memref_squeeze %dma_wait3A_91 : memref<1x512x64xf32, #tpu.memory_space<vmem>> -> memref<512x64xf32, #tpu.memory_space<vmem>>
    tpu.wait_dma2 semaphore(%arg10 : memref<!tpu.dma_semaphore, #tpu.memory_space<semaphore_mem>>) src(%dma_wait3A_92 : memref<512x64xf32, #tpu.memory_space<vmem>>) dst(%dma_wait3A_88 : memref<512x64xf32, #tpu.memory_space<hbm>>)
    return
  }
}

</mosaic_0001>

<sc_bundles>
// kernel: kernel.3.cloned.1.call-start
scs
__scs_entry_jumppad:
0x0: {  	(pc) =	sbr.rel $0x88, $3  }
0x1: {  	(tag) =	ssettag $0x0;
	lr =	simm.s32 $0x1  }
0x2: {  	[smem:$0x3F9E] =	sst lr;
	_ =	strace $0xD0000000  }
0x3: {  	_ = 	snop  }
0x4: {  	_ = 	snop  }
0x5: {  	_ = 	snop  }
0x6: {  	_ = 	snop  }
0x7: {  	_ = 	snop  }
__scs_overlays_trampoline_lowered:
0x8: {  	[smem:$0x3FAD] =	sst s0  }
0x9: {  	[smem:$0x3FAE] =	sst s1  }
0xa: {  	[smem:$0x3FAF] =	sst s2  }
0xb: {  	[smem:$0x3FB0] =	sst s3  }
0xc: {  	[smem:$0x3FB1] =	sst s4  }
0xd: {  	[smem:$0x3FB2] =	sst s5  }
0xe: {  	[smem:$0x3FB3] =	sst s6  }
0xf: {  	[smem:$0x3FB4] =	sst s7  }
0x10: {  	[smem:$0x3FB5] =	sst s8  }
0x11: {  	[smem:$0x3FB6] =	sst s9;
	s0 =	simm.s32 @!p0 $0x0  }
0x12: {  	s1 =	sld [smem:$0x3F9C];
	s0 =	simm.s32 @p0 $0x1  }
0x13: {  	[smem:$0x3FB7] =	sst s0;
	s0 =	simm.s32 @!p1 $0x0  }
0x14: {  	s2 =	sld [smem:$0x3F9B];
	s0 =	simm.s32 @p1 $0x1  }
0x15: {  	[smem:$0x3FB8] =	sst s0;
	s0 =	simm.s32 @!p2 $0x0  }
0x16: {  	s3 =	sld [smem:$0x3FDB];
	s0 =	simm.s32 @p2 $0x1  }
0x17: {  	s4 =	simm.s32 $0x1BF5;
	[smem:$0x3FBA] =	sst s0  }
0x18: {  	s0 =	sld [smem:$0x3F9D];
	_ =	swait.ge [sflag:s4], $0x0  }
0x19: {  	s7 =	sld [smem:$0x3F9E]  }
0x1a: {  	s8 =	sadd.s32 $0xFFFFE003, lr  }
0x1b: {  	s9 =	sadd.s32 $0xFFFFFEF7, lr;
	s5 =	simm.s32 $0xFFFFFFFF;
	p2 =	slt.u32 s8, $0xFFFFF086  }
0x1c: {  	p1 =	slt.u32 s9, $0xF7A;
	s5 =	simm.s32 @!p2 $0x0  }
0x1d: {  	s5 =	simm.s32 @p1 $0x1;
	p0 =	seq.s32 s7, s2  }
0x1e: {  	s7 =	smul.u32 @!p0 $0xF7A, s2;
	p2 =	seq.s32 @!p0 s5, $0x0  }
0x1f: {  	s9 =	smul.u32 $0xF7A, s1;
	s8 =	simm.s32 @!p0 $0x1BF5;
	p2 =	por !p2, p0  }
0x20: {  	[sflag:s8] =	ssyncset.s32 @!p0 $0xFFFFF086;
	s6 =	sadd.s32 @!p0 s3, s7;
	s7 =	simm.s32 @!p0 $0x108  }
0x21: {  	s3 =	sadd.s32 s3, s9;
	s6 =	sadd.s32 @!p0 $0x88, s6;
	s7 =	simm.s32 @p2 $0x1082  }
0x22: {  	[simem:s7], [sflag:s8] =	dma.local @!p0 [hbm:s6], $0xF7A  }
0x23: {  	s9 =	sor.u32 $0xD0000000, s2;
	s6 =	simm.s32 $0x108;
	_ =	swait.ge @!p0 [sflag:s8], $0x0  }
0x24: {  	s3 =	sadd.s32 $0x88, s3;
	s6 =	simm.s32 @!p1 $0x1082;
	[sflag:s4] =	ssyncset.s32 $0xFFFFF086  }
0x25: {  	[simem:s6], [sflag:s4] =	dma.local [hbm:s3], $0xF7A  }
0x26: {  	[smem:$0x3F9E] =	sst s1;
	(tag) =	ssettag s2;
	_ =	strace s9  }
0x27: {  	s1 =	sld [smem:$0x3FAE]  }
0x28: {  	s2 =	sld [smem:$0x3FAF]  }
0x29: {  	s4 =	sld [smem:$0x3FB1]  }
0x2a: {  	p0 =	seq.s32 s5, $0x0;
	s5 =	sld [smem:$0x3FB2]  }
0x2b: {  	s6 =	sld [smem:$0x3FB3]  }
0x2c: {  	s7 =	sld [smem:$0x3FB4]  }
0x2d: {  	s3 =	simm.s32 $0x108;
	s8 =	sld [smem:$0x3FB5]  }
0x2e: {  	s3 =	simm.s32 @!p0 $0x1082;
	s9 =	sld [smem:$0x3FB6]  }
0x2f: {  	lr =	sadd.s32 s0, s3;
	s0 =	sld [smem:$0x3FAD]  }
0x30: {  	s3 =	sld [smem:$0x3FB0]  }
0x31: {  	[smem:$0x3FB9] =	sst s10  }
0x32: {  	s10 =	sld [smem:$0x3FB7];
	_ =	sdelay $0x3  }
0x33: {  	p0 =	seq.s32 s10, $0x1;
	s10 =	sld [smem:$0x3FB9];
	_ =	sdelay $0x3  }
0x34: {  	[smem:$0x3FB9] =	sst s10  }
0x35: {  	s10 =	sld [smem:$0x3FB8];
	_ =	sdelay $0x3  }
0x36: {  	p1 =	seq.s32 s10, $0x1;
	s10 =	sld [smem:$0x3FB9];
	_ =	sdelay $0x3  }
0x37: {  	[smem:$0x3FB9] =	sst s10  }
0x38: {  	s10 =	sld [smem:$0x3FBA]  }
0x39: {  	_ = 	snop;
	(pc) =	sbr.ind lr, $3  }
0x3a: {  	_ = 	snop  }
0x3b: {  	_ = 	snop  }
0x3c: {  	p2 =	seq.s32 s10, $0x1;
	s10 =	sld [smem:$0x3FB9]  }
0x3d: {  	_ =	shalt  }
0x3e: {  	_ =	shalt  }
0x3f: {  	_ =	shalt  }
0x40: {  	_ =	shalt  }
0x41: {  	_ =	shalt  }
0x42: {  	_ =	shalt  }
0x43: {  	_ =	shalt  }
0x44: {  	_ =	shalt  }
0x45: {  	_ =	shalt  }
0x46: {  	_ =	shalt  }
0x47: {  	_ =	shalt  }
0x48: {  	_ =	shalt  }
0x49: {  	_ =	shalt  }
0x4a: {  	_ =	shalt  }
0x4b: {  	_ =	shalt  }
0x4c: {  	_ =	shalt  }
0x4d: {  	_ =	shalt  }
0x4e: {  	_ =	shalt  }
0x4f: {  	_ =	shalt  }
0x50: {  	_ =	shalt  }
0x51: {  	_ =	shalt  }
0x52: {  	_ =	shalt  }
0x53: {  	_ =	shalt  }
0x54: {  	_ =	shalt  }
0x55: {  	_ =	shalt  }
0x56: {  	_ =	shalt  }
0x57: {  	_ =	shalt  }
0x58: {  	_ =	shalt  }
0x59: {  	_ =	shalt  }
0x5a: {  	_ =	shalt  }
0x5b: {  	_ =	shalt  }
0x5c: {  	_ =	shalt  }
0x5d: {  	_ =	shalt  }
0x5e: {  	_ =	shalt  }
0x5f: {  	_ =	shalt  }
0x60: {  	_ =	shalt  }
0x61: {  	_ =	shalt  }
0x62: {  	_ =	shalt  }
0x63: {  	_ =	shalt  }
0x64: {  	_ =	shalt  }
0x65: {  	_ =	shalt  }
0x66: {  	_ =	shalt  }
0x67: {  	_ =	shalt  }
0x68: {  	_ =	shalt  }
0x69: {  	_ =	shalt  }
0x6a: {  	_ =	shalt  }
0x6b: {  	_ =	shalt  }
0x6c: {  	_ =	shalt  }
0x6d: {  	_ =	shalt  }
0x6e: {  	_ =	shalt  }
0x6f: {  	_ =	shalt  }
0x70: {  	_ =	shalt  }
0x71: {  	_ =	shalt  }
0x72: {  	_ =	shalt  }
0x73: {  	_ =	shalt  }
0x74: {  	_ =	shalt  }
0x75: {  	_ =	shalt  }
0x76: {  	_ =	shalt  }
0x77: {  	_ =	shalt  }
0x78: {  	_ =	shalt  }
0x79: {  	_ =	shalt  }
0x7a: {  	_ =	shalt  }
0x7b: {  	_ =	shalt  }
0x7c: {  	_ =	shalt  }
0x7d: {  	_ =	shalt  }
0x7e: {  	_ =	shalt  }
0x7f: {  	_ =	shalt  }
0x80: {  	_ =	shalt  }
0x81: {  	_ =	shalt  }
0x82: {  	_ =	shalt  }
0x83: {  	_ =	shalt  }
0x84: {  	_ =	shalt  }
0x85: {  	_ =	shalt  }
0x86: {  	_ =	shalt  }
0x87: {  	_ =	shalt  }
.Lfunc_end0:
.L_simem_size_0:
called_computation.1_lowered:
.L_overlay_start_0:
0x88: {  	s2 =	sld [smem:$0x3FD9]  }
0x89: {  	s3 =	sld [smem:$0x3FFE];
	_ =	sdelay $0x1  }
0x8a: {  	s1 =	srdreg.scid  }
0x8b: {  	s0 =	sand.u32 $0x1, s1  }
0x8c: {  	s16 =	sshll.u32 s0, $0xA;
	s2 =	sadd.s32 s3, s2  }
0x8d: {  	s2 =	sadd.s32 s2, s16  }
0x8e: {  	[smem:$0x3FC5] =	sst s2  }
0x8f: {  	_ = 	snop  }
0x90: {  	(tm) =	ssettm $0x1  }
0x91: {  	s17 =	sld [smem:$0x3FFB];
	_ =	sdelay $0x3  }
0x92: {  	_ =	strace s17  }
0x93: {  	s2 =	sld [smem:$0x3FFC];
	_ =	sdelay $0x3  }
0x94: {  	_ =	strace s2  }
0x95: {  	s2 =	sld [smem:$0x3FFD];
	_ =	sdelay $0x3  }
0x96: {  	_ =	strace s2  }
0x97: {  	_ =	strace $0x8FFFFFFF  }
0x98: {  	s18 =	sld [smem:$0x3FDB];
	_ =	sdelay $0x1  }
0x99: {  	s19 =	simm.s32 $_scs_section_size  }
0x9a: {  	s4 =	simm.s32 $_size__tile_overlayer_lowered;
	s5 =	simm.s32 $_tile_overlayer_lowered  }
0x9b: {  	s22 =	simm.s32 $0x1BFF;
	s21 =	sshll.u32 s5, $0x1;
	s2 =	sadd.s32 s19, s18  }
0x9c: {  	s6 =	simm.s32 $0x0;
	s20 =	sshll.u32 s4, $0x1;
	s4 =	sadd.s32 s21, s2  }
0x9d: {  	[timem:s6], [sflag:s22] =	dma.local [hbm:s4], s20  }
0x9e: {  	_ =	swait.ge [sflag:s22], s20  }
0x9f: {  	s3 =	ssub.s32 $0x0, s20;
	[sflag:s22] =	ssyncset.done $0x0  }
0xa0: {  	[sflag:s22] =	ssyncadd.s32 s3;
	_ =	sdelay $0x1  }
0xa1: {  	s23 =	simm.s32 $0x1B8B  }
0xa2: {  	_ =	swait.ge [sflag:s23], $0x1  }
0xa3: {  	[sflag:s23] =	ssyncset.done $0x0  }
0xa4: {  	s25 =	simm.s32 $0x1B8E;
	s24 =	sld [smem:$0x3FFE];
	[sflag:s23] =	ssyncadd.s32 $0xFFFFFFFF  }
0xa5: {  	s26 =	simm.s32 $execute0_lowered;
	[smem:$0x3FD2] =	sst s25  }
0xa6: {  	s4 =	sshll.u32 s26, $0x1;
	_ =	strace $0x80000046;
	[dreg:$0x1] =	wrdreg $0xFFFFFFFF  }
0xa7: {  	s28 =	simm.s32 $_size_execute0_lowered;
	s2 =	sadd.s32 s2, s4;
	[dreg:$0x0] =	wrdreg $0x0  }
0xa8: {  	s4 =	sshll.u32 s28, $0x1;
	[dreg:$0x2] =	wrdreg s2  }
0xa9: {  	[dreg:$0x3] =	wrdreg s4  }
0xaa: {  	[dreg:$0x4] =	wrdreg $0xC0  }
0xab: {  	_ =	task [dreg:s6], $0x5FFFF  }
0xac: {  	[dreg:$0x1] =	wrdreg $0xFFFFFFFF  }
0xad: {  	[dreg:$0x0] =	wrdreg $0x60  }
0xae: {  	[dreg:$0x2] =	wrdreg s24  }
0xaf: {  	[dreg:$0x3] =	wrdreg $0x9  }
0xb0: {  	_ =	task.clear_ibuf [dreg:s6], $0x4FFFF;
	_ =	strace $0x90000046  }
0xb1: {  	s29 =	simm.s32 $0x9;
	_ =	strace $0x80000048  }
0xb2: {  	_ =	swait.ge [sflag:s29], $0x1  }
0xb3: {  	[sflag:s29] =	ssyncadd.s32 $0xFFFFFFFF  }
0xb4: {  	_ =	strace $0x90000048  }
0xb5: {  	_ =	sfence  }
0xb6: {  	s30 =	sld [smem:$0x0];
	_ =	sdelay $0x2  }
0xb7: {  	s31 =	sshll.u32 s1, $0xD;
	s1 =	sshrl.u32 s1, $0x2  }
0xb8: {  	s3 =	sand.u32 $0x4000, s31;
	s1 =	sadd.s32 s1, s30  }
0xb9: {  	s0 =	sor.u32 s3, s0;
	s1 =	sshll.u32 s1, $0x11  }
0xba: {  	s0 =	sor.u32 s1, s0  }
0xbb: {  	s0 =	sadd.s32 $0x8F2B, s0  }
0xbc: {  	[sflag:s0] =	ssyncadd.remote.s32 $0x1  }
0xbd: {  	_ =	sfence.sel $0xFFFF  }
0xbe: {  	[dreg:$0x0] =	wrdreg $0xFFFFFFFF;
	(pc) =	sbr.abs _section_cstart, $3  }
0xbf: {  	[dreg:$0x1] =	wrdreg $0xFFFFFFFF  }
0xc0: {  	_ =	task.clear_ibuf [dreg:s6], $0x2FFFF;
	_ =	strace $0x9FFFFFFF  }
0xc1: {  	(tm) =	ssettm $0x7FFFFFFF  }
tec
execute0_lowered:
.L_overlay_start_1:
0x0: {  	(tag) =	ssettag $0x1  }
0x1: {  	s0 =	rddreg [dreg:$0x0];
	s1 =	srdreg.scid  }
0x2: {  	s11 =	stileid.u32;
	s2 =	simm.s32 $0x0;
	s14 =	simm.s32 $0x80  }
0x3: {  	s15 =	simm.s32 $0x400;
	s18 =	simm.s32 $0x4400;
	s19 =	simm.s32 $0x180  }
0x4: {  	s28 =	simm.s32 $0xC400;
	s29 =	simm.s32 $0x380;
	s30 =	simm.s32 $0xE400  }
0x5: {  	s31 =	simm.s32 $0x1;
	s1 =	sand.u32 $0x1, s1;
	s23 =	smul.u32 $0xC800, s11  }
0x6: {  	s3 =	sshll.u32 s11, $0x1;
	[smem:$0x7FF] =	sst s2;
	s24 =	smul.u32 $0xC8000, s11  }
0x7: {  	s5 =	sadd.s32 $0xDD000, s0;
	s4 =	sor.u32 s1, s3;
	s10 =	smul.u32 $0x6400, s1  }
0x8: {  	_ =	strace $0x80000047;
	s6 =	ssub.s32 $0x2, s1;
	s1 =	smul.u32 $0x64000, s1  }
0x9: {  	s3 =	sadd.s32 $0xA00, s0;
	s7 =	smul.u32 $0x6400, s4;
	s8 =	sshrl.u32 s6, $0x1  }
0xa: {  	s9 =	smul.u32 $0x320000, s4;
	s4 =	sadd.s32 $0x19A00, s0;
	s20 =	ssub.s32 s6, s8  }
0xb: {  	s10 =	sadd.s32 s10, s23;
	s11 =	sadd.s32 s1, s24;
	s23 =	simm.s32 $0x8400  }
0xc: {  	s24 =	simm.s32 $0x280;
	s21 =	sshrl.u32 s7, $0x3;
	s22 =	sshrl.u32 s9, $0x3  }
0xd: {  	s7 =	sor.u32 $0x200, s7;
	s0 =	smax.u32 s20, $0x1;
	s25 =	sor.u32 $0x200, s10  }
0xe: {  	s26 =	sadd.s32 $0x400, s10;
	s13 =	sadd.s32 s5, s11;
	s20 =	simm.s32 $0x6400  }
0xf: {  	s6 =	sadd.s32 s3, s21;
	s8 =	sadd.s32 s5, s22;
	[dreg:$0x3] =	wrdreg s0  }
.Ltmp0:
0x10: {  	s7 =	sshrl.u32 s7, $0x3;
	[dreg:$0x4] =	wrdreg s26;
	(pc) =	sbr.rel .LBB2_1-.Ltmp0, $4  }
0x11: {  	s0 =	sshrl.u32 s25, $0x3;
	s21 =	simm.s32 $0x6;
	s22 =	simm.s32 $0x200  }
0x12: {  	s25 =	simm.s32 $0xA400;
	s26 =	simm.s32 $0x300;
	s8 =	sadd.s32 $0x62000, s8  }
0x13: {  	s9 =	sadd.s32 s3, s7;
	s0 =	sadd.s32 s0, s3;
	[dreg:$0x2] =	wrdreg s8  }
0x14: {  	[dreg:$0x5] =	wrdreg s0;
	s0 =	simm.s32 $0x40;
	s8 =	simm.s32 $0x0  }
.LBB2_4:
0x15: {  	s1 =	simm.s32 $0x2  }
0x16: {  	_ =	swait.ge [sflag:s1], $0x8000  }
0x17: {  	[sflag:s1] =	ssyncset.done $0x0  }
0x18: {  	s16 =	simm.s32 $0x3;
	s12 =	rddreg [dreg:$0x2];
	[sflag:s1] =	ssyncadd.s32 $0xFFFF8000  }
0x19: {  	[hbm4b:s12+s0] =	stream.strided.scatter [tilespmem:s23], [sflag:$0x4], $0x8000, s14, s0, $0x38;
	[tilespmem:$0x10400] =	vst v63  }
0x1a: {  	_ =	swait.ge [sflag:s16], $0x8000  }
0x1b: {  	[sflag:s16] =	ssyncset.done $0x0  }
0x1c: {  	s7 =	simm.s32 $0x4;
	[sflag:s16] =	ssyncadd.s32 $0xFFFF8000  }
0x1d: {  	_ =	swait.ge [sflag:s7], $0x8000  }
0x1e: {  	s8 =	rddreg [dreg:$0x6]  }
0x1f: {  	s17 =	rddreg [dreg:$0x3];
	s8 =	sadd.s32 $0x1, s8  }
0x20: {  	p0 =	sne.s32 s8, s17  }
.Ltmp1:
0x21: {  	_ = 	snop;
	(pc) =	sbr.rel @!p0 .LBB2_5-.Ltmp1, $3  }
0x22: {  	_ =	sdelay $0x1  }
0x23: {  	[sflag:s7] =	ssyncset.done $0x0  }
0x24: {  	[sflag:s7] =	ssyncadd.s32 $0xFFFF8000  }
.LBB2_1:
0x25: {  	[dreg:$0x6] =	wrdreg s8  }
0x26: {  	s1 =	rddreg [dreg:$0x5]  }
0x27: {  	s12 =	simm.s32 $0x0;
	s7 =	rddreg [dreg:$0x4]  }
.LBB2_2:
0x28: {  	p0 =	seq.s32 s12, $0x0  }
0x29: {  	s8 =	simm.s32 @p0 $0x0;
	s10 =	simm.s32 @!p0 $0x3  }
0x2a: {  	[tilespmem:s8], [sflag:$0x7] =	stream.linear.gather @p0 [hbm4b:s6+s8], $0x200, $0x38;
	[tilespmem:$0x10400] =	vst v63  }
0x2b: {  	_ =	swait.ge @!p0 [sflag:s10], $0x8000  }
0x2c: {  	s16 =	simm.s32 @!p0 $0x5;
	[sflag:s10] =	ssyncset.done @!p0 $0x0  }
0x2d: {  	s16 =	simm.s32 @p0 $0x7;
	[sflag:s10] =	ssyncadd.s32 @!p0 $0xFFFF8000  }
0x2e: {  	_ =	swait.ge [sflag:s16], $0x200  }
0x2f: {  	[sflag:s16] =	ssyncset.done $0x0  }
0x30: {  	[sflag:s16] =	ssyncadd.s32 $0xFFFFFE00  }
0x31: {  	[tilespmem:s15], [sflag:$0x1] =	stream.indirect.gather [hbm4b:s4+s14], $0x40, s2, s14, $0xb8;
	[tilespmem:$0x10400] =	vst v63  }
0x32: {  	s17 =	simm.s32 $0x2400  }
0x33: {  	[tilespmem:s17], [sflag:$0x1] =	stream.indirect.gather [hbm4b:s4+s14], $0x40, s14, s14, $0xb8;
	[tilespmem:$0x10400] =	vst v63  }
0x34: {  	s16 =	simm.s32 $0x100  }
0x35: {  	[tilespmem:s18], [sflag:$0x1] =	stream.indirect.gather [hbm4b:s4+s14], $0x40, s16, s14, $0xb8;
	[tilespmem:$0x10400] =	vst v63  }
0x36: {  	_ = 	snop  }
0x37: {  	[tilespmem:s20], [sflag:$0x1] =	stream.indirect.gather [hbm4b:s4+s14], $0x40, s19, s14, $0xb8;
	[tilespmem:$0x10400] =	vst v63  }
0x38: {  	s10 =	simm.s32 @p0 $0x200  }
0x39: {  	[tilespmem:s10], [sflag:$0x6] =	stream.linear.gather @p0 [hbm4b:s9+s8], $0x200, $0x38;
	[tilespmem:$0x10400] =	vst v63  }
0x3a: {  	s8 =	simm.s32 @!p0 $0x2;
	s10 =	sadd.s32 @!p0 s12, s11  }
0x3b: {  	s17 =	simm.s32 @!p0 $0x8400;
	_ =	swait.ge @!p0 [sflag:s8], $0x8000;
	s10 =	sadd.s32 @!p0 $0x1FFFE000, s10  }
0x3c: {  	s16 =	simm.s32 @!p0 $0x80;
	[sflag:s8] =	ssyncset.done @!p0 $0x0;
	s10 =	sand.u32 @!p0 $0x1FFFE000, s10  }
0x3d: {  	[sflag:s8] =	ssyncadd.s32 @!p0 $0xFFFF8000;
	s8 =	sadd.s32 @!p0 s5, s10;
	s10 =	simm.s32 @!p0 $0x40  }
0x3e: {  	[hbm4b:s8+s10] =	stream.strided.scatter @!p0 [tilespmem:s17], [sflag:$0x4], $0x8000, s16, s10, $0x38;
	[tilespmem:$0x10400] =	vst v63  }
0x3f: {  	s8 =	simm.s32 @!p0 $0x0;
	s10 =	simm.s32 @!p0 $0x200  }
0x40: {  	[tilespmem:s10], [sflag:$0x6] =	stream.linear.gather @!p0 [hbm4b:s1+s8], $0x200, $0x38;
	[tilespmem:$0x10400] =	vst v63  }
0x41: {  	s8 =	simm.s32 @!p0 $0x4  }
0x42: {  	_ =	swait.ge @!p0 [sflag:s8], $0x8000  }
0x43: {  	[sflag:s8] =	ssyncset.done @!p0 $0x0  }
0x44: {  	[sflag:s8] =	ssyncadd.s32 @!p0 $0xFFFF8000  }
0x45: {  	_ =	swait.ge [sflag:s21], $0x200  }
0x46: {  	[sflag:s21] =	ssyncset.done $0x0  }
0x47: {  	[sflag:s21] =	ssyncadd.s32 $0xFFFFFE00  }
0x48: {  	[tilespmem:s23], [sflag:$0x2] =	stream.indirect.gather [hbm4b:s4+s14], $0x40, s22, s14, $0xb8;
	[tilespmem:$0x10400] =	vst v63  }
0x49: {  	_ = 	snop  }
0x4a: {  	[tilespmem:s25], [sflag:$0x2] =	stream.indirect.gather [hbm4b:s4+s14], $0x40, s24, s14, $0xb8;
	[tilespmem:$0x10400] =	vst v63  }
0x4b: {  	_ = 	snop  }
0x4c: {  	[tilespmem:s28], [sflag:$0x2] =	stream.indirect.gather [hbm4b:s4+s14], $0x40, s26, s14, $0xb8;
	[tilespmem:$0x10400] =	vst v63  }
0x4d: {  	p0 =	seq.s32 s12, $0x60000  }
0x4e: {  	[tilespmem:s30], [sflag:$0x2] =	stream.indirect.gather [hbm4b:s4+s14], $0x40, s29, s14, $0xb8;
	[tilespmem:$0x10400] =	vst v63  }
.Ltmp2:
0x4f: {  	_ = 	snop;
	(pc) =	sbr.rel @p0 .LBB2_4-.Ltmp2, $4  }
0x50: {  	_ =	swait.ge [sflag:s31], $0x8000  }
0x51: {  	[sflag:s31] =	ssyncset.done $0x0  }
0x52: {  	s17 =	sadd.s32 s12, s13;
	[sflag:s31] =	ssyncadd.s32 $0xFFFF8000  }
0x53: {  	[hbm4b:s17+s0] =	stream.strided.scatter [tilespmem:s15], [sflag:$0x3], $0x8000, s14, s0, $0x38;
	[tilespmem:$0x10400] =	vst v63  }
.Ltmp3:
0x54: {  	(pc) =	sbr.rel .LBB2_2-.Ltmp3, $4  }
0x55: {  	_ = 	snop  }
0x56: {  	s8 =	sshrl.u32 s7, $0x3;
	s7 =	sadd.s32 $0x400, s7  }
0x57: {  	s1 =	sadd.s32 $0x80, s1;
	s12 =	sadd.s32 $0x4000, s12;
	s8 =	sadd.s32 s3, s8  }
0x58: {  	[tilespmem:s2], [sflag:$0x5] =	stream.linear.gather [hbm4b:s8+s2], $0x200, $0x38;
	[tilespmem:$0x10400] =	vst v63  }
.LBB2_5:
0x59: {  	_ =	sfence.sel $0x180000  }
0x5a: {  	[bflag:$0x0] =	sbarrier.arrive $0xFFFF  }
0x5b: {  	_ =	strace $0x90000047  }
0x5c: {  	s0 =	stileid.u32;
	[bflag:$0x2] =	sbarrier.arrive $0xFFFF  }
0x5d: {  	p0 =	sne.s32 s0, $0x0;
	s0 =	rddreg [dreg:$0x1]  }
0x5e: {  	s0 =	sadd.s32 @!p0 $0x100000, s0  }
0x5f: {  	[sflag:s0] =	ssyncadd.tile.s32 @!p0 $0x1;
	_ =	shalt  }
.Lfunc_end2:
_tile_overlayer_lowered:
.L_overlay_start_2:
0x60: {  	(tag) =	ssettag $0x2  }
0x61: {  	s0 =	rddreg [dreg:$0x0];
	s2 =	stileid.u32  }
0x62: {  	s1 =	rddreg [dreg:$0x1];
	p0 =	sne.s32 s2, $0x0  }
0x63: {  	s3 =	rddreg [dreg:$0x2];
	[bflag:$0x3] =	sbarrier.arrive $0xFFFF;
	s2 =	simm.s32 @!p0 $0x1C07  }
0x64: {  	[timem:s3], [sflag:s2] =	dma.local @!p0 [hbm:s0], s1  }
0x65: {  	s0 =	simm.s32 @!p0 $0x7  }
0x66: {  	_ =	swait.ge @!p0 [sflag:s0], s1  }
0x67: {  	s1 =	ssub.s32 @!p0 $0x0, s1;
	[sflag:s0] =	ssyncset.done @!p0 $0x0  }
0x68: {  	[sflag:s0] =	ssyncadd.s32 @!p0 s1  }
0x69: {  	[bflag:$0x3] =	sbarrier.arrive $0xFFFF  }
0x6a: {  	_ =	shalt  }

// kernel: sparse-core-data-format-call.cloned.1.call-start
scs
called_computation_lowered:
.L_overlay_start_0:
0x0: {  	s2 =	sld [smem:$0x3FD9]  }
0x1: {  	s3 =	sld [smem:$0x3FFE];
	_ =	sdelay $0x1  }
0x2: {  	s1 =	srdreg.scid  }
0x3: {  	s0 =	sand.u32 $0x1, s1  }
0x4: {  	s18 =	sshll.u32 s0, $0xA;
	s2 =	sadd.s32 s3, s2  }
0x5: {  	s2 =	sadd.s32 s2, s18  }
0x6: {  	[smem:$0x3FC5] =	sst s2  }
0x7: {  	_ = 	snop  }
0x8: {  	s2 =	sld [smem:$0x3FD0];
	(tm) =	ssettm $0x1  }
0x9: {  	s19 =	sld [smem:$0x3FFB];
	_ =	sdelay $0x3  }
0xa: {  	_ =	strace s19  }
0xb: {  	s3 =	sld [smem:$0x3FFC];
	_ =	sdelay $0x3  }
0xc: {  	_ =	strace s3  }
0xd: {  	s3 =	sld [smem:$0x3FFD];
	_ =	sdelay $0x3  }
0xe: {  	_ =	strace s3  }
0xf: {  	_ =	strace $0x8FFFFFFF  }
0x10: {  	s20 =	sld [smem:$0x3FDB];
	_ =	sdelay $0x1  }
0x11: {  	s4 =	simm.s32 $_scs_section_size  }
0x12: {  	s5 =	simm.s32 $_size__tile_overlayer_lowered;
	s6 =	simm.s32 $_tile_overlayer_lowered  }
0x13: {  	s23 =	simm.s32 $0x1BFF;
	s22 =	sshll.u32 s6, $0x1;
	s3 =	sadd.s32 s4, s20  }
0x14: {  	s7 =	simm.s32 $0x0;
	s21 =	sshll.u32 s5, $0x1;
	s5 =	sadd.s32 s22, s3  }
0x15: {  	[timem:s7], [sflag:s23] =	dma.local [hbm:s5], s21  }
0x16: {  	_ =	swait.ge [sflag:s23], s21  }
0x17: {  	s4 =	ssub.s32 $0x0, s21;
	[sflag:s23] =	ssyncset.done $0x0  }
0x18: {  	[sflag:s23] =	ssyncadd.s32 s4;
	_ =	sdelay $0x1  }
0x19: {  	s24 =	simm.s32 $0x1B8B  }
0x1a: {  	_ =	swait.ge [sflag:s24], $0x1  }
0x1b: {  	[sflag:s24] =	ssyncset.done $0x0  }
0x1c: {  	s26 =	simm.s32 $0x1B8E;
	s25 =	sld [smem:$0x3FFE];
	[sflag:s24] =	ssyncadd.s32 $0xFFFFFFFF  }
0x1d: {  	s27 =	simm.s32 $execute0_lowered;
	[smem:$0x3FD2] =	sst s26  }
0x1e: {  	s5 =	sshll.u32 s27, $0x1;
	_ =	strace $0x80000049;
	[dreg:$0x1] =	wrdreg $0xFFFFFFFF  }
0x1f: {  	s28 =	simm.s32 $_size_execute0_lowered;
	s3 =	sadd.s32 s3, s5;
	[dreg:$0x0] =	wrdreg $0x0  }
0x20: {  	s5 =	sshll.u32 s28, $0x1;
	[dreg:$0x2] =	wrdreg s3  }
0x21: {  	[dreg:$0x3] =	wrdreg s5  }
0x22: {  	[dreg:$0x4] =	wrdreg $0xC0  }
0x23: {  	_ =	task [dreg:s7], $0x5FFFF  }
0x24: {  	[dreg:$0x1] =	wrdreg $0xFFFFFFFF  }
0x25: {  	[dreg:$0x0] =	wrdreg $0x60  }
0x26: {  	[dreg:$0x2] =	wrdreg s25  }
0x27: {  	[dreg:$0x3] =	wrdreg s2  }
0x28: {  	[dreg:$0x4] =	wrdreg $0x9  }
0x29: {  	_ =	task.clear_ibuf [dreg:s7], $0x5FFFF;
	_ =	strace $0x90000049  }
0x2a: {  	s29 =	simm.s32 $0x9;
	_ =	strace $0x8000004B  }
0x2b: {  	_ =	swait.ge [sflag:s29], $0x1  }
0x2c: {  	[sflag:s29] =	ssyncadd.s32 $0xFFFFFFFF  }
0x2d: {  	_ =	strace $0x9000004B  }
0x2e: {  	_ =	sfence  }
0x2f: {  	s30 =	sld [smem:$0x0];
	_ =	sdelay $0x2  }
0x30: {  	s31 =	sshll.u32 s1, $0xD;
	s1 =	sshrl.u32 s1, $0x2  }
0x31: {  	s3 =	sand.u32 $0x4000, s31;
	s1 =	sadd.s32 s1, s30  }
0x32: {  	s0 =	sor.u32 s3, s0;
	s1 =	sshll.u32 s1, $0x11  }
0x33: {  	s0 =	sor.u32 s1, s0  }
0x34: {  	s0 =	sadd.s32 $0x8F2B, s0  }
0x35: {  	[sflag:s0] =	ssyncadd.remote.s32 $0x1  }
0x36: {  	_ =	sfence.sel $0xFFFF  }
0x37: {  	[dreg:$0x0] =	wrdreg $0xFFFFFFFF;
	(pc) =	sbr.abs _section_cstart, $3  }
0x38: {  	[dreg:$0x1] =	wrdreg $0xFFFFFFFF  }
0x39: {  	_ =	task.clear_ibuf [dreg:s7], $0x2FFFF;
	_ =	strace $0x9FFFFFFF  }
0x3a: {  	(tm) =	ssettm $0x7FFFFFFF  }
0x3b: {  	_ =	shalt  }
tec
execute0_lowered:
.L_overlay_start_1:
0x0: {  	(tag) =	ssettag $0x1  }
0x1: {  	s0 =	srdreg.scid  }
0x2: {  	s1 =	sshll.u32 s0, $0x4  }
0x3: {  	s5 =	rddreg [dreg:$0x0];
	s0 =	stileid.u32;
	s1 =	sand.u32 $0x10, s1  }
0x4: {  	s3 =	rddreg [dreg:$0x1];
	s31 =	simm.s32 $0x2;
	s4 =	sor.u32 s0, s1  }
0x5: {  	s13 =	simm.s32 $0x0;
	s9 =	simm.s32 $0x400;
	s2 =	sshll.u32 s4, $0x7  }
0x6: {  	s10 =	simm.s32 $0x8000;
	s14 =	simm.s32 $0x0;
	s6 =	ssub.s32 $0x1000, s2  }
0x7: {  	s1 =	rddreg [dreg:$0x2];
	_ =	strace $0x8000004A;
	s7 =	sand.u32 $0xF80, s6  }
0x8: {  	s4 =	sshll.u32 s4, $0xB;
	p0 =	sne.s32 s7, $0x0;
	s7 =	simm.s32 $0x1  }
.Ltmp0:
0x9: {  	s6 =	sshrl.u32 s6, $0xC;
	s7 =	simm.s32 @!p0 $0x0;
	(pc) =	sbr.rel .LBB1_1-.Ltmp0, $4  }
0xa: {  	s8 =	sadd.s32 s4, s5;
	s4 =	simm.s32 $0x1;
	s30 =	sadd.s32 s7, s6  }
0xb: {  	s11 =	simm.s32 $0x0;
	[sflag:s4] =	ssyncpa.u1 $0x0;
	s5 =	smul.u32 $0x64, s30  }
0xc: {  	s12 =	simm.s32 $0x0;
	[sflag:s31] =	ssyncpa.u1 $0x0;
	p0 =	por $0x0, $0x0  }
0xd: {  	s6 =	sadd.s32 $0xDD000, s8;
	s7 =	sadd.s32 $0xED000, s8;
	s8 =	sor.u32 $0x1, s5  }
.LBB1_7:
0xe: {  	s15 =	sadd.s32 $0x2, s11  }
0xf: {  	p2 =	sgt.s32 s15, $0xC7  }
0x10: {  	s15 =	simm.s32 @p2 $0x0;
	p2 =	sne.s32 s12, s8  }
.Ltmp1:
0x11: {  	p1 =	slt.u32 s12, $0x2;
	(pc) =	sbr.rel @!p2 .LBB1_8-.Ltmp1, $4  }
0x12: {  	s13 =	simm.s32 @!p1 $0x2  }
0x13: {  	s16 =	sadd.s32 $0x1, s12;
	s14 =	smov.u32 s11;
	_ =	swait.ge @!p1 [sflag:s13], $0x4000  }
0x14: {  	p0 =	por !p0, !p0;
	s12 =	smov.u32 s16;
	[sflag:s13] =	ssyncset.done @!p1 $0x0  }
0x15: {  	s11 =	smov.u32 s15;
	[sflag:s13] =	ssyncadd.s32 @!p1 $0xFFFFC000;
	s13 =	smov.u32 s2  }
.LBB1_1:
0x16: {  	p1 =	sge.u32 s12, s5  }
0x17: {  	s15 =	sxor.u32 @!p1 $0xFFFFFFFF, s12  }
0x18: {  	s16 =	sshll.u32 @!p1 s11, $0x10;
	s18 =	simm.s32 @!p1 $0x40;
	s15 =	sshll.u32 @!p1 s15, $0xE  }
0x19: {  	s19 =	simm.s32 @!p1 $0x80;
	s17 =	sadd.s32 @!p1 s16, s6;
	s15 =	sand.u32 @!p1 $0x4000, s15  }
0x1a: {  	[tilespmem:s15], [sflag:$0x1] =	stream.strided.gather @!p1 [hbm4b:s17+s18], $0x2000, s19, s18, $0x38;
	[tilespmem:$0x10100] =	vst v63  }
0x1b: {  	s31 =	sadd.s32 $0xFFFFFFFF, s12;
	s16 =	sadd.s32 @!p1 s16, s7;
	s15 =	sor.u32 @!p1 $0x2000, s15  }
0x1c: {  	[tilespmem:s15], [sflag:$0x1] =	stream.strided.gather @!p1 [hbm4b:s16+s18], $0x2000, s19, s18, $0x38;
	[tilespmem:$0x10100] =	vst v63  }
0x1d: {  	p1 =	sge.u32 s31, s5  }
.Ltmp2:
0x1e: {  	_ = 	snop;
	(pc) =	sbr.rel @p1 .LBB1_7-.Ltmp2, $1  }
0x1f: {  	_ =	sdelay $0x3  }
0x20: {  	s15 =	simm.s32 $0x1;
	s17 =	sand.u32 $0x1, s12  }
0x21: {  	_ =	swait.ge [sflag:s4], $0x4000;
	s15 =	simm.s32 @!p0 $0x0;
	s17 =	smul.u32 $0x10200, s17  }
0x22: {  	p2 =	por $0x1, $0x1;
	[sflag:s4] =	ssyncset.done $0x0;
	s16 =	smul.u32 $0x10200, s15  }
0x23: {  	s18 =	sshll.u32 s15, $0x10;
	[sflag:s4] =	ssyncadd.s32 $0xFFFFC000;
	s30 =	sshrl.u32 s17, $0x2  }
0x24: {  	s31 =	sshrl.u32 s18, $0x2;
	s18 =	simm.s32 $0x0;
	s16 =	sshrl.u32 s16, $0x2  }
0x25: {  	s15 =	sor.u32 $0x8000, s30;
	s17 =	sadd.s32 $0x20, s31;
	s16 =	sor.u32 $0x8000, s16  }
.LBB1_3:
0x26: {  	s19 =	sshll.u32 s18, $0xD  }
0x27: {  	s19 =	sand.u32 $0x3FFFE000, s19  }
0x28: {  	s21 =	sadd.s32 s19, s17  }
0x29: {  	s31 =	smul.u32 $0x8100, s18;
	v3 =	vld [tilespmem:s21+$0x10]  }
0x2a: {  	v1 =	vld [tilespmem:s21+$0xFFFFFFF0]  }
0x2b: {  	s18 =	sshra.s32 s31, $0x2;
	v0 =	vld [tilespmem:s21+$0x0]  }
0x2c: {  	s18 =	sadd.s32 s18, s16;
	v2 =	vld [tilespmem:s21+$0xFFFFFFE0]  }
0x2d: {  	s19 =	sadd.s32 $0x0, s18  }
0x2e: {  	p1 =	por p2, p2;
	s20 =	simm.s32 $0x4;
	s21 =	sadd.s32 $0x40, s21;
	[tilespmem:s19+$0x1830 ss:$0x81] =	vst.msk $0xffff, v3  }
.LBB1_4:
0x2f: {  	v3 =	vld [tilespmem:s21+$0x10];
	p2 =	sne.s32 s20, $0x1FC;
	[tilespmem:s19+$0x810 ss:$0x81] =	vst.msk $0xffff, v1;
	s22 =	smov.u32 s20;
	s20 =	sadd.s32 $0x4, s20  }
.Ltmp3:
0x30: {  	v1 =	vld [tilespmem:s21+$0xFFFFFFF0];
	[tilespmem:s19+$0x1020 ss:$0x81] =	vst.msk $0xffff, v0;
	(pc) =	sbr.rel @p2 .LBB1_4-.Ltmp3, $4  }
0x31: {  	v0 =	vld [tilespmem:s21+$0x0];
	[tilespmem:s19+$0x0 ss:$0x81] =	vst.msk $0xffff, v2  }
0x32: {  	s19 =	sshra.s32 s22, $0x2;
	v2 =	vld [tilespmem:s21+$0xFFFFFFE0]  }
0x33: {  	s19 =	sadd.s32 s19, s18  }
0x34: {  	s21 =	sadd.s32 $0x40, s21;
	[tilespmem:s19+$0x1830 ss:$0x81] =	vst.msk $0xffff, v3  }
.Ltmp4:
0x35: {  	(pc) =	sbr.rel @p1 .LBB1_3-.Ltmp4, $4  }
0x36: {  	_ = 	snop  }
0x37: {  	[tilespmem:s19+$0x810 ss:$0x81] =	vst.msk $0xffff, v1  }
0x38: {  	[tilespmem:s19+$0x1020 ss:$0x81] =	vst.msk $0xffff, v0  }
0x39: {  	s18 =	simm.s32 $0x1;
	p2 =	por $0x0, $0x0;
	[tilespmem:s19+$0x0 ss:$0x81] =	vst.msk $0xffff, v2  }
.Ltmp5:
0x3a: {  	(pc) =	sbr.rel .LBB1_7-.Ltmp5, $4  }
0x3b: {  	s14 =	sshll.u32 s14, $0xF  }
0x3c: {  	s14 =	sadd.s32 s3, s14  }
0x3d: {  	s13 =	sadd.s32 s13, s14  }
0x3e: {  	[hbm4b:s13+s9] =	stream.strided.scatter [tilespmem:s15], [sflag:$0x2], $0x4000, s10, s9, $0x20;
	[tilespmem:$0x10100] =	vst v63  }
.LBB1_8:
0x3f: {  	_ =	sfence.sel $0x180000  }
0x40: {  	s2 =	simm.s32 $0x1;
	[bflag:$0x0] =	sbarrier.arrive $0xFFFF  }
0x41: {  	s31 =	simm.s32 $0x2;
	[sflag:s2] =	ssyncpa.u1 $0x1  }
0x42: {  	[sflag:s31] =	ssyncpa.u1 $0x1  }
0x43: {  	p0 =	sne.s32 s0, $0x0;
	_ =	strace $0x9000004A  }
0x44: {  	s0 =	sadd.s32 @!p0 $0x100000, s1;
	[bflag:$0x2] =	sbarrier.arrive $0xFFFF  }
0x45: {  	[sflag:s0] =	ssyncadd.tile.s32 @!p0 $0x1;
	_ =	shalt  }
.Lfunc_end1:
_tile_overlayer_lowered:
.L_overlay_start_2:
0x46: {  	(tag) =	ssettag $0x2  }
0x47: {  	s0 =	rddreg [dreg:$0x0];
	s2 =	stileid.u32  }
0x48: {  	s1 =	rddreg [dreg:$0x1];
	p0 =	sne.s32 s2, $0x0  }
0x49: {  	s3 =	rddreg [dreg:$0x2];
	[bflag:$0x3] =	sbarrier.arrive $0xFFFF;
	s2 =	simm.s32 @!p0 $0x1C01  }
0x4a: {  	[timem:s3], [sflag:s2] =	dma.local @!p0 [hbm:s0], s1  }
0x4b: {  	s0 =	simm.s32 @!p0 $0x1  }
0x4c: {  	_ =	swait.ge @!p0 [sflag:s0], s1  }
0x4d: {  	s1 =	ssub.s32 @!p0 $0x0, s1;
	[sflag:s0] =	ssyncset.done @!p0 $0x0  }
0x4e: {  	[sflag:s0] =	ssyncadd.s32 @!p0 s1  }
0x4f: {  	[bflag:$0x3] =	sbarrier.arrive $0xFFFF  }
0x50: {  	_ =	shalt  }

</sc_bundles>
